<compile_context>
chip_gen: v7x
topology: tpu7x:2x2x1
jax: 0.10.2.dev20260603
libtpu: 0.0.44.dev20260713+nightly
codegen_flags: <defaults>
</compile_context>

<pallas_src>
import functools

import jax
import jax.numpy as jnp
from jax import lax
from jax.experimental import pallas as pl
from jax.experimental.pallas import tpu as pltpu
from jax.experimental.pallas import tpu_sc as plsc

_B = 512
_M = 4096
_NC = 2
_NS = 16
_NW = _NC * _NS
_R_SC = 128
_RPW = _R_SC // _NW
_RPB = 2
_NBATCH = _RPW // _RPB
_CHUNKS = _M // 16
_TC_BLOCK = 128
_NV = _RPW * 16
_OUT_ROWS = _R_SC // 8 if _NV >= 128 else _NW
_STAGE_ROWS = max(_NV // 128, 1)
_GVALID = 8 if _NV >= 128 else _RPW


def _sc_body(s_hbm, t_hbm, ss_out, st_out, d_out,
             s0, t0, s1, t1, ss_v, st_v, d_v,
             sem_s0, sem_t0, sem_s1, sem_t1):
    wid = lax.axis_index("s") * _NC + lax.axis_index("c")
    base_row = wid * _RPW

    sbufs = (s0, s1)
    tbufs = (t0, t1)
    sems = ((sem_s0, sem_t0), (sem_s1, sem_t1))

    def start(b):
        row = base_row + b * _RPB
        hs = pltpu.async_copy(s_hbm.at[pl.ds(row, _RPB), :], sbufs[b % 2], sems[b % 2][0])
        ht = pltpu.async_copy(t_hbm.at[pl.ds(row, _RPB), :], tbufs[b % 2], sems[b % 2][1])
        return hs, ht

    zero = jnp.zeros((16,), jnp.float32)
    if _RPW * 16 < 128:
        for j in range(8):
            ss_v[0, pl.ds(j * 16, 16)] = zero
            st_v[0, pl.ds(j * 16, 16)] = zero
            d_v[0, pl.ds(j * 16, 16)] = zero

    pending = start(0)
    for b in range(_NBATCH):
        pending[0].wait()
        pending[1].wait()
        sb = sbufs[b % 2]
        tb = tbufs[b % 2]
        if b + 1 < _NBATCH:
            pending = start(b + 1)
        for r in range(_RPB):

            def chunk(c, carry, _r=r, _sb=sb, _tb=tb):
                es, et, dd = carry
                off = c * 16
                sv = _sb[_r, pl.ds(off, 16)]
                tv = _tb[_r, pl.ds(off, 16)]
                ets = jnp.exp(tv)
                return es + jnp.exp(sv), et + ets, dd + ets * sv

            es, et, dd = lax.fori_loop(0, _CHUNKS, chunk, (zero, zero, zero),
                                       unroll=4)
            soff = (b * _RPB + r) * 16
            ss_v[soff // 128, pl.ds(soff % 128, 16)] = es
            st_v[soff // 128, pl.ds(soff % 128, 16)] = et
            d_v[soff // 128, pl.ds(soff % 128, 16)] = dd

    nv = _RPW * 16
    if nv >= 128:
        dst = (pl.ds(wid * (nv // 128), nv // 128), slice(None))
    else:
        dst = (pl.ds(wid, 1), slice(None))
    pltpu.sync_copy(ss_v, ss_out.at[dst])
    pltpu.sync_copy(st_v, st_out.at[dst])
    pltpu.sync_copy(d_v, d_out.at[dst])


@functools.partial(
    pl.kernel,
    mesh=plsc.VectorSubcoreMesh(core_axis_name="c", subcore_axis_name="s"),
    out_type=[
        jax.ShapeDtypeStruct((_OUT_ROWS, 128), jnp.float32),
        jax.ShapeDtypeStruct((_OUT_ROWS, 128), jnp.float32),
        jax.ShapeDtypeStruct((_OUT_ROWS, 128), jnp.float32),
    ],
    scratch_types=[
        pltpu.VMEM((_RPB, _M), jnp.float32),
        pltpu.VMEM((_RPB, _M), jnp.float32),
        pltpu.VMEM((_RPB, _M), jnp.float32),
        pltpu.VMEM((_RPB, _M), jnp.float32),
        pltpu.VMEM((_STAGE_ROWS, 128), jnp.float32),
        pltpu.VMEM((_STAGE_ROWS, 128), jnp.float32),
        pltpu.VMEM((_STAGE_ROWS, 128), jnp.float32),
        pltpu.SemaphoreType.DMA,
        pltpu.SemaphoreType.DMA,
        pltpu.SemaphoreType.DMA,
        pltpu.SemaphoreType.DMA,
    ],
)
def _sc_partials(s_hbm, t_hbm, ss_out, st_out, d_out, *rest):
    _sc_body(s_hbm, t_hbm, ss_out, st_out, d_out, *rest)


def _tc_rows_body(s_ref, t_ref, out_ref):
    s = s_ref[...]
    t = t_ref[...]
    et = jnp.exp(t)
    ss = jnp.sum(jnp.exp(s), axis=1)
    st = jnp.sum(et, axis=1)
    d = jnp.sum(et * s, axis=1)
    block_sum = jnp.sum(jnp.log(ss) - d / st).reshape(1, 1)

    @pl.when(pl.program_id(0) == 0)
    def _():
        out_ref[...] = jnp.zeros((1, 1), jnp.float32)

    out_ref[...] += block_sum


def _combine_body(ss_ref, st_ref, d_ref, tc_ref, out_ref):
    g = (lax.broadcasted_iota(jnp.int32, (128, 8), 0) // 16
         == lax.broadcasted_iota(jnp.int32, (128, 8), 1)).astype(jnp.float32)
    dot = functools.partial(lax.dot, preferred_element_type=jnp.float32)
    ss = dot(ss_ref[...], g)
    st = dot(st_ref[...], g)
    d = dot(d_ref[...], g)
    ce = jnp.log(ss) - d / st
    if _GVALID < 8:
        valid = lax.broadcasted_iota(jnp.int32, (_OUT_ROWS, 8), 1) < _GVALID
        ce = jnp.where(valid, ce, 0.0)
    out_ref[...] = (jnp.sum(ce).reshape(1, 1) + tc_ref[...]) * (1.0 / _B)


@jax.jit
def _loss(scores, targets):
    ss, st, d = _sc_partials(scores, targets)
    ntc = (_B - _R_SC) // _TC_BLOCK
    off = _R_SC // _TC_BLOCK
    tc_sum = pl.pallas_call(
        _tc_rows_body,
        grid=(ntc,),
        in_specs=[
            pl.BlockSpec((_TC_BLOCK, _M), lambda i: (i + off, 0)),
            pl.BlockSpec((_TC_BLOCK, _M), lambda i: (i + off, 0)),
        ],
        out_specs=pl.BlockSpec((1, 1), lambda i: (0, 0)),
        out_shape=jax.ShapeDtypeStruct((1, 1), jnp.float32),
    )(scores, targets)
    out = pl.pallas_call(
        _combine_body,
        out_shape=jax.ShapeDtypeStruct((1, 1), jnp.float32),
    )(ss, st, d, tc_sum)
    return out[0, 0]


def kernel(scores, targets, mask):
    del mask
    return _loss(scores, targets)

# --- scband reference (transcript-rebuilt; emitter-appended) ---
"""Pipeline reference for scband-ranking-loss-61632780697774 (READ-ONLY COPY).

The authoritative reference and input builder live on the scoring server;
editing this copy changes nothing except your own understanding.
"""

import jax, jax.numpy as jnp
import numpy as np

TEMPERATURE = 1.0
MIN_SYMBOLS = 10


def setup_inputs(seed: int = 0) -> dict:
    key = jax.random.key(seed)
    k1, k2 = jax.random.split(key)
    B, M = 512, 4096
    scores = jax.random.normal(k1, (B, M), dtype=jnp.float32)
    targets = jax.random.uniform(k2, (B, M), dtype=jnp.float32)
    mask = jnp.ones((B, M), dtype=jnp.float32)
    return {"scores": scores, "targets": targets, "mask": mask}


def _masked_log_softmax(x, valid):
    # softmax over only the valid entries of each row; equivalent to
    # F.softmax(x[valid_mask]) in the torch per-row loop.
    neg = jnp.asarray(-1e30, dtype=x.dtype)
    xm = jnp.where(valid, x, neg)
    m = jnp.max(xm, axis=1, keepdims=True)
    z = xm - m
    ez = jnp.where(valid, jnp.exp(z), 0.0)
    s = jnp.sum(ez, axis=1, keepdims=True)
    return z - jnp.log(s)


def reference(scores, targets, mask):
    # listwise_softmax_loss (RankingLoss with loss_type='listwise_softmax')
    valid = (mask > 0.5) & (~jnp.isnan(targets))
    t = jnp.where(valid, targets, 0.0) / TEMPERATURE
    s = scores / TEMPERATURE
    log_p = _masked_log_softmax(t, valid)
    p = jnp.where(valid, jnp.exp(log_p), 0.0)
    log_q = _masked_log_softmax(s, valid)
    ce_per_batch = -jnp.sum(jnp.where(valid, p * log_q, 0.0), axis=1)
    n_valid = jnp.sum(valid, axis=1)
    batch_ok = n_valid >= MIN_SYMBOLS
    total_loss = jnp.sum(jnp.where(batch_ok, ce_per_batch, 0.0))
    n_valid_batches = jnp.sum(batch_ok)
    fallback = (scores * 0.0).sum()
    denom = jnp.maximum(n_valid_batches, 1).astype(scores.dtype)
    return jnp.where(n_valid_batches == 0, fallback, total_loss / denom)

if __name__ == "__main__":
    import jax
    _d = setup_inputs()
    print(jax.jit(kernel)(*tuple(_d.values())))

</pallas_src>

<mosaic_0001>
#map = affine_map<(d0, d1) -> (0, 0)>
module attributes {stable_mosaic.version = 14 : i64} {
  func.func @_sc_partials(%arg0: i32, %arg1: i32, %arg2: memref<512x4096xf32, #tpu.memory_space<hbm>>, %arg3: memref<512x4096xf32, #tpu.memory_space<hbm>>, %arg4: memref<32x128xf32, #tpu.memory_space<hbm>>, %arg5: memref<32x128xf32, #tpu.memory_space<hbm>>, %arg6: memref<32x128xf32, #tpu.memory_space<hbm>>, %arg7: memref<2x4096xf32, #tpu.memory_space<vmem>>, %arg8: memref<2x4096xf32, #tpu.memory_space<vmem>>, %arg9: memref<2x4096xf32, #tpu.memory_space<vmem>>, %arg10: memref<2x4096xf32, #tpu.memory_space<vmem>>, %arg11: memref<1x128xf32, #tpu.memory_space<vmem>>, %arg12: memref<1x128xf32, #tpu.memory_space<vmem>>, %arg13: memref<1x128xf32, #tpu.memory_space<vmem>>, %arg14: memref<!tpu.dma_semaphore, #tpu.memory_space<semaphore_mem>>, %arg15: memref<!tpu.dma_semaphore, #tpu.memory_space<semaphore_mem>>, %arg16: memref<!tpu.dma_semaphore, #tpu.memory_space<semaphore_mem>>, %arg17: memref<!tpu.dma_semaphore, #tpu.memory_space<semaphore_mem>>) attributes {dimension_semantics = [#tpu.dimension_semantics<core_parallel>, #tpu.dimension_semantics<subcore_parallel>], iteration_bounds = array<i64: 2, 16>, scalar_prefetch = 0 : i64, scratch_operands = 11 : i64, tpu.core_type = #tpu.core_type<sc_vector_subcore>, window_params = [{transform_indices = #map}, {transform_indices = #map}, {transform_indices = #map}, {transform_indices = #map}, {transform_indices = #map}]} {
    %mul3A = arith.constant 2 : i32
    %mul3A_0 = arith.muli %arg1, %mul3A : i32
    %add3A = arith.addi %mul3A_0, %arg0 : i32
    %mul3A_1 = arith.constant 4 : i32
    %mul3A_2 = arith.muli %add3A, %mul3A_1 : i32
    %broadcast_in_dim3A = arith.constant 0.000000e+00 : f32
    %broadcast_in_dim3A_3 = vector.broadcast %broadcast_in_dim3A : f32 to vector<16xf32>
    %swap3A = arith.constant 0 : i32
    %swap3A_4 = arith.index_cast %swap3A : i32 to index
    %swap3A_5 = arith.constant 0 : index
    %swap3A_6 = tpu.vector_load %arg11[%swap3A_4, %swap3A_5] {strides = array<i32>} : memref<1x128xf32, #tpu.memory_space<vmem>>, vector<1x16xf32>,
    %swap3A_7 = vector.shape_cast %swap3A_6 : vector<1x16xf32> to vector<16xf32>
    %swap3A_8 = vector.shape_cast %broadcast_in_dim3A_3 : vector<16xf32> to vector<1x16xf32>
    tpu.vector_store %arg11[%swap3A_4, %swap3A_5], %swap3A_8 {strides = array<i32>} : memref<1x128xf32, #tpu.memory_space<vmem>>, vector<1x16xf32>,
    %swap3A_9 = arith.constant 0 : i32
    %swap3A_10 = arith.index_cast %swap3A_9 : i32 to index
    %swap3A_11 = arith.constant 0 : index
    %swap3A_12 = tpu.vector_load %arg12[%swap3A_10, %swap3A_11] {strides = array<i32>} : memref<1x128xf32, #tpu.memory_space<vmem>>, vector<1x16xf32>,
    %swap3A_13 = vector.shape_cast %swap3A_12 : vector<1x16xf32> to vector<16xf32>
    %swap3A_14 = vector.shape_cast %broadcast_in_dim3A_3 : vector<16xf32> to vector<1x16xf32>
    tpu.vector_store %arg12[%swap3A_10, %swap3A_11], %swap3A_14 {strides = array<i32>} : memref<1x128xf32, #tpu.memory_space<vmem>>, vector<1x16xf32>,
    %swap3A_15 = arith.constant 0 : i32
    %swap3A_16 = arith.index_cast %swap3A_15 : i32 to index
    %swap3A_17 = arith.constant 0 : index
    %swap3A_18 = tpu.vector_load %arg13[%swap3A_16, %swap3A_17] {strides = array<i32>} : memref<1x128xf32, #tpu.memory_space<vmem>>, vector<1x16xf32>,
    %swap3A_19 = vector.shape_cast %swap3A_18 : vector<1x16xf32> to vector<16xf32>
    %swap3A_20 = vector.shape_cast %broadcast_in_dim3A_3 : vector<16xf32> to vector<1x16xf32>
    tpu.vector_store %arg13[%swap3A_16, %swap3A_17], %swap3A_20 {strides = array<i32>} : memref<1x128xf32, #tpu.memory_space<vmem>>, vector<1x16xf32>,
    %swap3A_21 = arith.constant 0 : i32
    %swap3A_22 = arith.index_cast %swap3A_21 : i32 to index
    %swap3A_23 = arith.constant 16 : index
    %swap3A_24 = tpu.vector_load %arg11[%swap3A_22, %swap3A_23] {strides = array<i32>} : memref<1x128xf32, #tpu.memory_space<vmem>>, vector<1x16xf32>,
    %swap3A_25 = vector.shape_cast %swap3A_24 : vector<1x16xf32> to vector<16xf32>
    %swap3A_26 = vector.shape_cast %broadcast_in_dim3A_3 : vector<16xf32> to vector<1x16xf32>
    tpu.vector_store %arg11[%swap3A_22, %swap3A_23], %swap3A_26 {strides = array<i32>} : memref<1x128xf32, #tpu.memory_space<vmem>>, vector<1x16xf32>,
    %swap3A_27 = arith.constant 0 : i32
    %swap3A_28 = arith.index_cast %swap3A_27 : i32 to index
    %swap3A_29 = arith.constant 16 : index
    %swap3A_30 = tpu.vector_load %arg12[%swap3A_28, %swap3A_29] {strides = array<i32>} : memref<1x128xf32, #tpu.memory_space<vmem>>, vector<1x16xf32>,
    %swap3A_31 = vector.shape_cast %swap3A_30 : vector<1x16xf32> to vector<16xf32>
    %swap3A_32 = vector.shape_cast %broadcast_in_dim3A_3 : vector<16xf32> to vector<1x16xf32>
    tpu.vector_store %arg12[%swap3A_28, %swap3A_29], %swap3A_32 {strides = array<i32>} : memref<1x128xf32, #tpu.memory_space<vmem>>, vector<1x16xf32>,
    %swap3A_33 = arith.constant 0 : i32
    %swap3A_34 = arith.index_cast %swap3A_33 : i32 to index
    %swap3A_35 = arith.constant 16 : index
    %swap3A_36 = tpu.vector_load %arg13[%swap3A_34, %swap3A_35] {strides = array<i32>} : memref<1x128xf32, #tpu.memory_space<vmem>>, vector<1x16xf32>,
    %swap3A_37 = vector.shape_cast %swap3A_36 : vector<1x16xf32> to vector<16xf32>
    %swap3A_38 = vector.shape_cast %broadcast_in_dim3A_3 : vector<16xf32> to vector<1x16xf32>
    tpu.vector_store %arg13[%swap3A_34, %swap3A_35], %swap3A_38 {strides = array<i32>} : memref<1x128xf32, #tpu.memory_space<vmem>>, vector<1x16xf32>,
    %swap3A_39 = arith.constant 0 : i32
    %swap3A_40 = arith.index_cast %swap3A_39 : i32 to index
    %swap3A_41 = arith.constant 32 : index
    %swap3A_42 = tpu.vector_load %arg11[%swap3A_40, %swap3A_41] {strides = array<i32>} : memref<1x128xf32, #tpu.memory_space<vmem>>, vector<1x16xf32>,
    %swap3A_43 = vector.shape_cast %swap3A_42 : vector<1x16xf32> to vector<16xf32>
    %swap3A_44 = vector.shape_cast %broadcast_in_dim3A_3 : vector<16xf32> to vector<1x16xf32>
    tpu.vector_store %arg11[%swap3A_40, %swap3A_41], %swap3A_44 {strides = array<i32>} : memref<1x128xf32, #tpu.memory_space<vmem>>, vector<1x16xf32>,
    %swap3A_45 = arith.constant 0 : i32
    %swap3A_46 = arith.index_cast %swap3A_45 : i32 to index
    %swap3A_47 = arith.constant 32 : index
    %swap3A_48 = tpu.vector_load %arg12[%swap3A_46, %swap3A_47] {strides = array<i32>} : memref<1x128xf32, #tpu.memory_space<vmem>>, vector<1x16xf32>,
    %swap3A_49 = vector.shape_cast %swap3A_48 : vector<1x16xf32> to vector<16xf32>
    %swap3A_50 = vector.shape_cast %broadcast_in_dim3A_3 : vector<16xf32> to vector<1x16xf32>
    tpu.vector_store %arg12[%swap3A_46, %swap3A_47], %swap3A_50 {strides = array<i32>} : memref<1x128xf32, #tpu.memory_space<vmem>>, vector<1x16xf32>,
    %swap3A_51 = arith.constant 0 : i32
    %swap3A_52 = arith.index_cast %swap3A_51 : i32 to index
    %swap3A_53 = arith.constant 32 : index
    %swap3A_54 = tpu.vector_load %arg13[%swap3A_52, %swap3A_53] {strides = array<i32>} : memref<1x128xf32, #tpu.memory_space<vmem>>, vector<1x16xf32>,
    %swap3A_55 = vector.shape_cast %swap3A_54 : vector<1x16xf32> to vector<16xf32>
    %swap3A_56 = vector.shape_cast %broadcast_in_dim3A_3 : vector<16xf32> to vector<1x16xf32>
    tpu.vector_store %arg13[%swap3A_52, %swap3A_53], %swap3A_56 {strides = array<i32>} : memref<1x128xf32, #tpu.memory_space<vmem>>, vector<1x16xf32>,
    %swap3A_57 = arith.constant 0 : i32
    %swap3A_58 = arith.index_cast %swap3A_57 : i32 to index
    %swap3A_59 = arith.constant 48 : index
    %swap3A_60 = tpu.vector_load %arg11[%swap3A_58, %swap3A_59] {strides = array<i32>} : memref<1x128xf32, #tpu.memory_space<vmem>>, vector<1x16xf32>,
    %swap3A_61 = vector.shape_cast %swap3A_60 : vector<1x16xf32> to vector<16xf32>
    %swap3A_62 = vector.shape_cast %broadcast_in_dim3A_3 : vector<16xf32> to vector<1x16xf32>
    tpu.vector_store %arg11[%swap3A_58, %swap3A_59], %swap3A_62 {strides = array<i32>} : memref<1x128xf32, #tpu.memory_space<vmem>>, vector<1x16xf32>,
    %swap3A_63 = arith.constant 0 : i32
    %swap3A_64 = arith.index_cast %swap3A_63 : i32 to index
    %swap3A_65 = arith.constant 48 : index
    %swap3A_66 = tpu.vector_load %arg12[%swap3A_64, %swap3A_65] {strides = array<i32>} : memref<1x128xf32, #tpu.memory_space<vmem>>, vector<1x16xf32>,
    %swap3A_67 = vector.shape_cast %swap3A_66 : vector<1x16xf32> to vector<16xf32>
    %swap3A_68 = vector.shape_cast %broadcast_in_dim3A_3 : vector<16xf32> to vector<1x16xf32>
    tpu.vector_store %arg12[%swap3A_64, %swap3A_65], %swap3A_68 {strides = array<i32>} : memref<1x128xf32, #tpu.memory_space<vmem>>, vector<1x16xf32>,
    %swap3A_69 = arith.constant 0 : i32
    %swap3A_70 = arith.index_cast %swap3A_69 : i32 to index
    %swap3A_71 = arith.constant 48 : index
    %swap3A_72 = tpu.vector_load %arg13[%swap3A_70, %swap3A_71] {strides = array<i32>} : memref<1x128xf32, #tpu.memory_space<vmem>>, vector<1x16xf32>,
    %swap3A_73 = vector.shape_cast %swap3A_72 : vector<1x16xf32> to vector<16xf32>
    %swap3A_74 = vector.shape_cast %broadcast_in_dim3A_3 : vector<16xf32> to vector<1x16xf32>
    tpu.vector_store %arg13[%swap3A_70, %swap3A_71], %swap3A_74 {strides = array<i32>} : memref<1x128xf32, #tpu.memory_space<vmem>>, vector<1x16xf32>,
    %swap3A_75 = arith.constant 0 : i32
    %swap3A_76 = arith.index_cast %swap3A_75 : i32 to index
    %swap3A_77 = arith.constant 64 : index
    %swap3A_78 = tpu.vector_load %arg11[%swap3A_76, %swap3A_77] {strides = array<i32>} : memref<1x128xf32, #tpu.memory_space<vmem>>, vector<1x16xf32>,
    %swap3A_79 = vector.shape_cast %swap3A_78 : vector<1x16xf32> to vector<16xf32>
    %swap3A_80 = vector.shape_cast %broadcast_in_dim3A_3 : vector<16xf32> to vector<1x16xf32>
    tpu.vector_store %arg11[%swap3A_76, %swap3A_77], %swap3A_80 {strides = array<i32>} : memref<1x128xf32, #tpu.memory_space<vmem>>, vector<1x16xf32>,
    %swap3A_81 = arith.constant 0 : i32
    %swap3A_82 = arith.index_cast %swap3A_81 : i32 to index
    %swap3A_83 = arith.constant 64 : index
    %swap3A_84 = tpu.vector_load %arg12[%swap3A_82, %swap3A_83] {strides = array<i32>} : memref<1x128xf32, #tpu.memory_space<vmem>>, vector<1x16xf32>,
    %swap3A_85 = vector.shape_cast %swap3A_84 : vector<1x16xf32> to vector<16xf32>
    %swap3A_86 = vector.shape_cast %broadcast_in_dim3A_3 : vector<16xf32> to vector<1x16xf32>
    tpu.vector_store %arg12[%swap3A_82, %swap3A_83], %swap3A_86 {strides = array<i32>} : memref<1x128xf32, #tpu.memory_space<vmem>>, vector<1x16xf32>,
    %swap3A_87 = arith.constant 0 : i32
    %swap3A_88 = arith.index_cast %swap3A_87 : i32 to index
    %swap3A_89 = arith.constant 64 : index
    %swap3A_90 = tpu.vector_load %arg13[%swap3A_88, %swap3A_89] {strides = array<i32>} : memref<1x128xf32, #tpu.memory_space<vmem>>, vector<1x16xf32>,
    %swap3A_91 = vector.shape_cast %swap3A_90 : vector<1x16xf32> to vector<16xf32>
    %swap3A_92 = vector.shape_cast %broadcast_in_dim3A_3 : vector<16xf32> to vector<1x16xf32>
    tpu.vector_store %arg13[%swap3A_88, %swap3A_89], %swap3A_92 {strides = array<i32>} : memref<1x128xf32, #tpu.memory_space<vmem>>, vector<1x16xf32>,
    %swap3A_93 = arith.constant 0 : i32
    %swap3A_94 = arith.index_cast %swap3A_93 : i32 to index
    %swap3A_95 = arith.constant 80 : index
    %swap3A_96 = tpu.vector_load %arg11[%swap3A_94, %swap3A_95] {strides = array<i32>} : memref<1x128xf32, #tpu.memory_space<vmem>>, vector<1x16xf32>,
    %swap3A_97 = vector.shape_cast %swap3A_96 : vector<1x16xf32> to vector<16xf32>
    %swap3A_98 = vector.shape_cast %broadcast_in_dim3A_3 : vector<16xf32> to vector<1x16xf32>
    tpu.vector_store %arg11[%swap3A_94, %swap3A_95], %swap3A_98 {strides = array<i32>} : memref<1x128xf32, #tpu.memory_space<vmem>>, vector<1x16xf32>,
    %swap3A_99 = arith.constant 0 : i32
    %swap3A_100 = arith.index_cast %swap3A_99 : i32 to index
    %swap3A_101 = arith.constant 80 : index
    %swap3A_102 = tpu.vector_load %arg12[%swap3A_100, %swap3A_101] {strides = array<i32>} : memref<1x128xf32, #tpu.memory_space<vmem>>, vector<1x16xf32>,
    %swap3A_103 = vector.shape_cast %swap3A_102 : vector<1x16xf32> to vector<16xf32>
    %swap3A_104 = vector.shape_cast %broadcast_in_dim3A_3 : vector<16xf32> to vector<1x16xf32>
    tpu.vector_store %arg12[%swap3A_100, %swap3A_101], %swap3A_104 {strides = array<i32>} : memref<1x128xf32, #tpu.memory_space<vmem>>, vector<1x16xf32>,
    %swap3A_105 = arith.constant 0 : i32
    %swap3A_106 = arith.index_cast %swap3A_105 : i32 to index
    %swap3A_107 = arith.constant 80 : index
    %swap3A_108 = tpu.vector_load %arg13[%swap3A_106, %swap3A_107] {strides = array<i32>} : memref<1x128xf32, #tpu.memory_space<vmem>>, vector<1x16xf32>,
    %swap3A_109 = vector.shape_cast %swap3A_108 : vector<1x16xf32> to vector<16xf32>
    %swap3A_110 = vector.shape_cast %broadcast_in_dim3A_3 : vector<16xf32> to vector<1x16xf32>
    tpu.vector_store %arg13[%swap3A_106, %swap3A_107], %swap3A_110 {strides = array<i32>} : memref<1x128xf32, #tpu.memory_space<vmem>>, vector<1x16xf32>,
    %swap3A_111 = arith.constant 0 : i32
    %swap3A_112 = arith.index_cast %swap3A_111 : i32 to index
    %swap3A_113 = arith.constant 96 : index
    %swap3A_114 = tpu.vector_load %arg11[%swap3A_112, %swap3A_113] {strides = array<i32>} : memref<1x128xf32, #tpu.memory_space<vmem>>, vector<1x16xf32>,
    %swap3A_115 = vector.shape_cast %swap3A_114 : vector<1x16xf32> to vector<16xf32>
    %swap3A_116 = vector.shape_cast %broadcast_in_dim3A_3 : vector<16xf32> to vector<1x16xf32>
    tpu.vector_store %arg11[%swap3A_112, %swap3A_113], %swap3A_116 {strides = array<i32>} : memref<1x128xf32, #tpu.memory_space<vmem>>, vector<1x16xf32>,
    %swap3A_117 = arith.constant 0 : i32
    %swap3A_118 = arith.index_cast %swap3A_117 : i32 to index
    %swap3A_119 = arith.constant 96 : index
    %swap3A_120 = tpu.vector_load %arg12[%swap3A_118, %swap3A_119] {strides = array<i32>} : memref<1x128xf32, #tpu.memory_space<vmem>>, vector<1x16xf32>,
    %swap3A_121 = vector.shape_cast %swap3A_120 : vector<1x16xf32> to vector<16xf32>
    %swap3A_122 = vector.shape_cast %broadcast_in_dim3A_3 : vector<16xf32> to vector<1x16xf32>
    tpu.vector_store %arg12[%swap3A_118, %swap3A_119], %swap3A_122 {strides = array<i32>} : memref<1x128xf32, #tpu.memory_space<vmem>>, vector<1x16xf32>,
    %swap3A_123 = arith.constant 0 : i32
    %swap3A_124 = arith.index_cast %swap3A_123 : i32 to index
    %swap3A_125 = arith.constant 96 : index
    %swap3A_126 = tpu.vector_load %arg13[%swap3A_124, %swap3A_125] {strides = array<i32>} : memref<1x128xf32, #tpu.memory_space<vmem>>, vector<1x16xf32>,
    %swap3A_127 = vector.shape_cast %swap3A_126 : vector<1x16xf32> to vector<16xf32>
    %swap3A_128 = vector.shape_cast %broadcast_in_dim3A_3 : vector<16xf32> to vector<1x16xf32>
    tpu.vector_store %arg13[%swap3A_124, %swap3A_125], %swap3A_128 {strides = array<i32>} : memref<1x128xf32, #tpu.memory_space<vmem>>, vector<1x16xf32>,
    %swap3A_129 = arith.constant 0 : i32
    %swap3A_130 = arith.index_cast %swap3A_129 : i32 to index
    %swap3A_131 = arith.constant 112 : index
    %swap3A_132 = tpu.vector_load %arg11[%swap3A_130, %swap3A_131] {strides = array<i32>} : memref<1x128xf32, #tpu.memory_space<vmem>>, vector<1x16xf32>,
    %swap3A_133 = vector.shape_cast %swap3A_132 : vector<1x16xf32> to vector<16xf32>
    %swap3A_134 = vector.shape_cast %broadcast_in_dim3A_3 : vector<16xf32> to vector<1x16xf32>
    tpu.vector_store %arg11[%swap3A_130, %swap3A_131], %swap3A_134 {strides = array<i32>} : memref<1x128xf32, #tpu.memory_space<vmem>>, vector<1x16xf32>,
    %swap3A_135 = arith.constant 0 : i32
    %swap3A_136 = arith.index_cast %swap3A_135 : i32 to index
    %swap3A_137 = arith.constant 112 : index
    %swap3A_138 = tpu.vector_load %arg12[%swap3A_136, %swap3A_137] {strides = array<i32>} : memref<1x128xf32, #tpu.memory_space<vmem>>, vector<1x16xf32>,
    %swap3A_139 = vector.shape_cast %swap3A_138 : vector<1x16xf32> to vector<16xf32>
    %swap3A_140 = vector.shape_cast %broadcast_in_dim3A_3 : vector<16xf32> to vector<1x16xf32>
    tpu.vector_store %arg12[%swap3A_136, %swap3A_137], %swap3A_140 {strides = array<i32>} : memref<1x128xf32, #tpu.memory_space<vmem>>, vector<1x16xf32>,
    %swap3A_141 = arith.constant 0 : i32
    %swap3A_142 = arith.index_cast %swap3A_141 : i32 to index
    %swap3A_143 = arith.constant 112 : index
    %swap3A_144 = tpu.vector_load %arg13[%swap3A_142, %swap3A_143] {strides = array<i32>} : memref<1x128xf32, #tpu.memory_space<vmem>>, vector<1x16xf32>,
    %swap3A_145 = vector.shape_cast %swap3A_144 : vector<1x16xf32> to vector<16xf32>
    %swap3A_146 = vector.shape_cast %broadcast_in_dim3A_3 : vector<16xf32> to vector<1x16xf32>
    tpu.vector_store %arg13[%swap3A_142, %swap3A_143], %swap3A_146 {strides = array<i32>} : memref<1x128xf32, #tpu.memory_space<vmem>>, vector<1x16xf32>,
    %add3A_147 = arith.constant 0 : i32
    %add3A_148 = arith.addi %mul3A_2, %add3A_147 : i32
    %dma_start3A = arith.constant 0 : i32
    %dma_start3A_149 = tpu.memref_slice %arg2[%add3A_148, %dma_start3A] : memref<512x4096xf32, #tpu.memory_space<hbm>> -> memref<2x4096xf32, #tpu.memory_space<hbm>>
    %dma_start3A_150 = arith.constant 0 : i32
    %dma_start3A_151 = tpu.memref_slice %arg2[%add3A_148, %dma_start3A_150] : memref<512x4096xf32, #tpu.memory_space<hbm>> -> memref<2x4096xf32, #tpu.memory_space<hbm>>
    tpu.enqueue_dma source(%dma_start3A_151 : memref<2x4096xf32, #tpu.memory_space<hbm>>) target(%arg7 : memref<2x4096xf32, #tpu.memory_space<vmem>>) target_semaphore(%arg14 : memref<!tpu.dma_semaphore, #tpu.memory_space<semaphore_mem>>)
    %dma_start3A_152 = arith.constant 0 : i32
    %dma_start3A_153 = tpu.memref_slice %arg3[%add3A_148, %dma_start3A_152] : memref<512x4096xf32, #tpu.memory_space<hbm>> -> memref<2x4096xf32, #tpu.memory_space<hbm>>
    %dma_start3A_154 = arith.constant 0 : i32
    %dma_start3A_155 = tpu.memref_slice %arg3[%add3A_148, %dma_start3A_154] : memref<512x4096xf32, #tpu.memory_space<hbm>> -> memref<2x4096xf32, #tpu.memory_space<hbm>>
    tpu.enqueue_dma source(%dma_start3A_155 : memref<2x4096xf32, #tpu.memory_space<hbm>>) target(%arg8 : memref<2x4096xf32, #tpu.memory_space<vmem>>) target_semaphore(%arg15 : memref<!tpu.dma_semaphore, #tpu.memory_space<semaphore_mem>>)
    %dma_wait3A = arith.constant 0 : i32
    %dma_wait3A_156 = tpu.memref_slice %arg2[%add3A_148, %dma_wait3A] : memref<512x4096xf32, #tpu.memory_space<hbm>> -> memref<2x4096xf32, #tpu.memory_space<hbm>>
    %dma_wait3A_157 = arith.constant 0 : i32
    %dma_wait3A_158 = tpu.memref_slice %arg2[%add3A_148, %dma_wait3A_157] : memref<512x4096xf32, #tpu.memory_space<hbm>> -> memref<2x4096xf32, #tpu.memory_space<hbm>>
    tpu.wait_dma2 semaphore(%arg14 : memref<!tpu.dma_semaphore, #tpu.memory_space<semaphore_mem>>) src(%dma_wait3A_158 : memref<2x4096xf32, #tpu.memory_space<hbm>>) dst(%arg7 : memref<2x4096xf32, #tpu.memory_space<vmem>>)
    %dma_wait3A_159 = arith.constant 0 : i32
    %dma_wait3A_160 = tpu.memref_slice %arg3[%add3A_148, %dma_wait3A_159] : memref<512x4096xf32, #tpu.memory_space<hbm>> -> memref<2x4096xf32, #tpu.memory_space<hbm>>
    %dma_wait3A_161 = arith.constant 0 : i32
    %dma_wait3A_162 = tpu.memref_slice %arg3[%add3A_148, %dma_wait3A_161] : memref<512x4096xf32, #tpu.memory_space<hbm>> -> memref<2x4096xf32, #tpu.memory_space<hbm>>
    tpu.wait_dma2 semaphore(%arg15 : memref<!tpu.dma_semaphore, #tpu.memory_space<semaphore_mem>>) src(%dma_wait3A_162 : memref<2x4096xf32, #tpu.memory_space<hbm>>) dst(%arg8 : memref<2x4096xf32, #tpu.memory_space<vmem>>)
    %add3A_163 = arith.constant 2 : i32
    %add3A_164 = arith.addi %mul3A_2, %add3A_163 : i32
    %dma_start3A_165 = arith.constant 0 : i32
    %dma_start3A_166 = tpu.memref_slice %arg2[%add3A_164, %dma_start3A_165] : memref<512x4096xf32, #tpu.memory_space<hbm>> -> memref<2x4096xf32, #tpu.memory_space<hbm>>
    %dma_start3A_167 = arith.constant 0 : i32
    %dma_start3A_168 = tpu.memref_slice %arg2[%add3A_164, %dma_start3A_167] : memref<512x4096xf32, #tpu.memory_space<hbm>> -> memref<2x4096xf32, #tpu.memory_space<hbm>>
    tpu.enqueue_dma source(%dma_start3A_168 : memref<2x4096xf32, #tpu.memory_space<hbm>>) target(%arg9 : memref<2x4096xf32, #tpu.memory_space<vmem>>) target_semaphore(%arg16 : memref<!tpu.dma_semaphore, #tpu.memory_space<semaphore_mem>>)
    %dma_start3A_169 = arith.constant 0 : i32
    %dma_start3A_170 = tpu.memref_slice %arg3[%add3A_164, %dma_start3A_169] : memref<512x4096xf32, #tpu.memory_space<hbm>> -> memref<2x4096xf32, #tpu.memory_space<hbm>>
    %dma_start3A_171 = arith.constant 0 : i32
    %dma_start3A_172 = tpu.memref_slice %arg3[%add3A_164, %dma_start3A_171] : memref<512x4096xf32, #tpu.memory_space<hbm>> -> memref<2x4096xf32, #tpu.memory_space<hbm>>
    tpu.enqueue_dma source(%dma_start3A_172 : memref<2x4096xf32, #tpu.memory_space<hbm>>) target(%arg10 : memref<2x4096xf32, #tpu.memory_space<vmem>>) target_semaphore(%arg17 : memref<!tpu.dma_semaphore, #tpu.memory_space<semaphore_mem>>)
    %scan3A = arith.constant 0 : i32
    %scan3A_173 = arith.constant 256 : i32
    %scan3A_174 = arith.addi %scan3A, %scan3A_173 : i32
    %scan3A_175 = arith.constant 4 : i32
    %scan3A_176:3 = scf.for %scan3A_276 = %scan3A to %scan3A_174 step %scan3A_175 iter_args(%scan3A_277 = %broadcast_in_dim3A_3, %scan3A_278 = %broadcast_in_dim3A_3, %scan3A_279 = %broadcast_in_dim3A_3) -> (vector<16xf32>, vector<16xf32>, vector<16xf32>)  : i32 {
      %mul3A_280 = arith.constant 16 : i32
      %mul3A_281 = arith.muli %scan3A_276, %mul3A_280 : i32
      %get3A = arith.constant 0 : i32
      %get3A_282 = arith.index_cast %get3A : i32 to index
      %get3A_283 = arith.index_cast %mul3A_281 : i32 to index
      %get3A_284 = tpu.vector_load %arg7[%get3A_282, %get3A_283] {strides = array<i32>} : memref<2x4096xf32, #tpu.memory_space<vmem>>, vector<1x16xf32>,
      %get3A_285 = vector.shape_cast %get3A_284 : vector<1x16xf32> to vector<16xf32>
      %get3A_286 = arith.constant 0 : i32
      %get3A_287 = arith.index_cast %get3A_286 : i32 to index
      %get3A_288 = arith.index_cast %mul3A_281 : i32 to index
      %get3A_289 = tpu.vector_load %arg8[%get3A_287, %get3A_288] {strides = array<i32>} : memref<2x4096xf32, #tpu.memory_space<vmem>>, vector<1x16xf32>,
      %get3A_290 = vector.shape_cast %get3A_289 : vector<1x16xf32> to vector<16xf32>
      %exp3A = math.exp %get3A_290 : vector<16xf32>
      %exp3A_291 = math.exp %get3A_285 : vector<16xf32>
      %add3A_292 = arith.addf %scan3A_277, %exp3A_291 : vector<16xf32>
      %add3A_293 = arith.addf %scan3A_278, %exp3A : vector<16xf32>
      %mul3A_294 = arith.mulf %exp3A, %get3A_285 : vector<16xf32>
      %add3A_295 = arith.addf %scan3A_279, %mul3A_294 : vector<16xf32>
      %scan3A_296 = arith.constant 1 : i32
      %scan3A_297 = arith.addi %scan3A_276, %scan3A_296 : i32
      %mul3A_298 = arith.constant 16 : i32
      %mul3A_299 = arith.muli %scan3A_297, %mul3A_298 : i32
      %get3A_300 = arith.constant 0 : i32
      %get3A_301 = arith.index_cast %get3A_300 : i32 to index
      %get3A_302 = arith.index_cast %mul3A_299 : i32 to index
      %get3A_303 = tpu.vector_load %arg7[%get3A_301, %get3A_302] {strides = array<i32>} : memref<2x4096xf32, #tpu.memory_space<vmem>>, vector<1x16xf32>,
      %get3A_304 = vector.shape_cast %get3A_303 : vector<1x16xf32> to vector<16xf32>
      %get3A_305 = arith.constant 0 : i32
      %get3A_306 = arith.index_cast %get3A_305 : i32 to index
      %get3A_307 = arith.index_cast %mul3A_299 : i32 to index
      %get3A_308 = tpu.vector_load %arg8[%get3A_306, %get3A_307] {strides = array<i32>} : memref<2x4096xf32, #tpu.memory_space<vmem>>, vector<1x16xf32>,
      %get3A_309 = vector.shape_cast %get3A_308 : vector<1x16xf32> to vector<16xf32>
      %exp3A_310 = math.exp %get3A_309 : vector<16xf32>
      %exp3A_311 = math.exp %get3A_304 : vector<16xf32>
      %add3A_312 = arith.addf %add3A_292, %exp3A_311 : vector<16xf32>
      %add3A_313 = arith.addf %add3A_293, %exp3A_310 : vector<16xf32>
      %mul3A_314 = arith.mulf %exp3A_310, %get3A_304 : vector<16xf32>
      %add3A_315 = arith.addf %add3A_295, %mul3A_314 : vector<16xf32>
      %scan3A_316 = arith.constant 2 : i32
      %scan3A_317 = arith.addi %scan3A_276, %scan3A_316 : i32
      %mul3A_318 = arith.constant 16 : i32
      %mul3A_319 = arith.muli %scan3A_317, %mul3A_318 : i32
      %get3A_320 = arith.constant 0 : i32
      %get3A_321 = arith.index_cast %get3A_320 : i32 to index
      %get3A_322 = arith.index_cast %mul3A_319 : i32 to index
      %get3A_323 = tpu.vector_load %arg7[%get3A_321, %get3A_322] {strides = array<i32>} : memref<2x4096xf32, #tpu.memory_space<vmem>>, vector<1x16xf32>,
      %get3A_324 = vector.shape_cast %get3A_323 : vector<1x16xf32> to vector<16xf32>
      %get3A_325 = arith.constant 0 : i32
      %get3A_326 = arith.index_cast %get3A_325 : i32 to index
      %get3A_327 = arith.index_cast %mul3A_319 : i32 to index
      %get3A_328 = tpu.vector_load %arg8[%get3A_326, %get3A_327] {strides = array<i32>} : memref<2x4096xf32, #tpu.memory_space<vmem>>, vector<1x16xf32>,
      %get3A_329 = vector.shape_cast %get3A_328 : vector<1x16xf32> to vector<16xf32>
      %exp3A_330 = math.exp %get3A_329 : vector<16xf32>
      %exp3A_331 = math.exp %get3A_324 : vector<16xf32>
      %add3A_332 = arith.addf %add3A_312, %exp3A_331 : vector<16xf32>
      %add3A_333 = arith.addf %add3A_313, %exp3A_330 : vector<16xf32>
      %mul3A_334 = arith.mulf %exp3A_330, %get3A_324 : vector<16xf32>
      %add3A_335 = arith.addf %add3A_315, %mul3A_334 : vector<16xf32>
      %scan3A_336 = arith.constant 3 : i32
      %scan3A_337 = arith.addi %scan3A_276, %scan3A_336 : i32
      %mul3A_338 = arith.constant 16 : i32
      %mul3A_339 = arith.muli %scan3A_337, %mul3A_338 : i32
      %get3A_340 = arith.constant 0 : i32
      %get3A_341 = arith.index_cast %get3A_340 : i32 to index
      %get3A_342 = arith.index_cast %mul3A_339 : i32 to index
      %get3A_343 = tpu.vector_load %arg7[%get3A_341, %get3A_342] {strides = array<i32>} : memref<2x4096xf32, #tpu.memory_space<vmem>>, vector<1x16xf32>,
      %get3A_344 = vector.shape_cast %get3A_343 : vector<1x16xf32> to vector<16xf32>
      %get3A_345 = arith.constant 0 : i32
      %get3A_346 = arith.index_cast %get3A_345 : i32 to index
      %get3A_347 = arith.index_cast %mul3A_339 : i32 to index
      %get3A_348 = tpu.vector_load %arg8[%get3A_346, %get3A_347] {strides = array<i32>} : memref<2x4096xf32, #tpu.memory_space<vmem>>, vector<1x16xf32>,
      %get3A_349 = vector.shape_cast %get3A_348 : vector<1x16xf32> to vector<16xf32>
      %exp3A_350 = math.exp %get3A_349 : vector<16xf32>
      %exp3A_351 = math.exp %get3A_344 : vector<16xf32>
      %add3A_352 = arith.addf %add3A_332, %exp3A_351 : vector<16xf32>
      %add3A_353 = arith.addf %add3A_333, %exp3A_350 : vector<16xf32>
      %mul3A_354 = arith.mulf %exp3A_350, %get3A_344 : vector<16xf32>
      %add3A_355 = arith.addf %add3A_335, %mul3A_354 : vector<16xf32>
      scf.yield %add3A_352, %add3A_353, %add3A_355 : vector<16xf32>, vector<16xf32>, vector<16xf32>
    }
    %scan3A_177 = arith.constant 256 : i32
    %swap3A_178 = arith.constant 0 : i32
    %swap3A_179 = arith.index_cast %swap3A_178 : i32 to index
    %swap3A_180 = arith.constant 0 : index
    %swap3A_181 = tpu.vector_load %arg11[%swap3A_179, %swap3A_180] {strides = array<i32>} : memref<1x128xf32, #tpu.memory_space<vmem>>, vector<1x16xf32>,
    %swap3A_182 = vector.shape_cast %swap3A_181 : vector<1x16xf32> to vector<16xf32>
    %swap3A_183 = vector.shape_cast %scan3A_176#0 : vector<16xf32> to vector<1x16xf32>
    tpu.vector_store %arg11[%swap3A_179, %swap3A_180], %swap3A_183 {strides = array<i32>} : memref<1x128xf32, #tpu.memory_space<vmem>>, vector<1x16xf32>,
    %swap3A_184 = arith.constant 0 : i32
    %swap3A_185 = arith.index_cast %swap3A_184 : i32 to index
    %swap3A_186 = arith.constant 0 : index
    %swap3A_187 = tpu.vector_load %arg12[%swap3A_185, %swap3A_186] {strides = array<i32>} : memref<1x128xf32, #tpu.memory_space<vmem>>, vector<1x16xf32>,
    %swap3A_188 = vector.shape_cast %swap3A_187 : vector<1x16xf32> to vector<16xf32>
    %swap3A_189 = vector.shape_cast %scan3A_176#1 : vector<16xf32> to vector<1x16xf32>
    tpu.vector_store %arg12[%swap3A_185, %swap3A_186], %swap3A_189 {strides = array<i32>} : memref<1x128xf32, #tpu.memory_space<vmem>>, vector<1x16xf32>,
    %swap3A_190 = arith.constant 0 : i32
    %swap3A_191 = arith.index_cast %swap3A_190 : i32 to index
    %swap3A_192 = arith.constant 0 : index
    %swap3A_193 = tpu.vector_load %arg13[%swap3A_191, %swap3A_192] {strides = array<i32>} : memref<1x128xf32, #tpu.memory_space<vmem>>, vector<1x16xf32>,
    %swap3A_194 = vector.shape_cast %swap3A_193 : vector<1x16xf32> to vector<16xf32>
    %swap3A_195 = vector.shape_cast %scan3A_176#2 : vector<16xf32> to vector<1x16xf32>
    tpu.vector_store %arg13[%swap3A_191, %swap3A_192], %swap3A_195 {strides = array<i32>} : memref<1x128xf32, #tpu.memory_space<vmem>>, vector<1x16xf32>,
    %scan3A_196 = arith.constant 0 : i32
    %scan3A_197 = arith.constant 256 : i32
    %scan3A_198 = arith.addi %scan3A_196, %scan3A_197 : i32
    %scan3A_199 = arith.constant 4 : i32
    %scan3A_200:3 = scf.for %scan3A_276 = %scan3A_196 to %scan3A_198 step %scan3A_199 iter_args(%scan3A_277 = %broadcast_in_dim3A_3, %scan3A_278 = %broadcast_in_dim3A_3, %scan3A_279 = %broadcast_in_dim3A_3) -> (vector<16xf32>, vector<16xf32>, vector<16xf32>)  : i32 {
      %mul3A_280 = arith.constant 16 : i32
      %mul3A_281 = arith.muli %scan3A_276, %mul3A_280 : i32
      %get3A = arith.constant 1 : i32
      %get3A_282 = arith.index_cast %get3A : i32 to index
      %get3A_283 = arith.index_cast %mul3A_281 : i32 to index
      %get3A_284 = tpu.vector_load %arg7[%get3A_282, %get3A_283] {strides = array<i32>} : memref<2x4096xf32, #tpu.memory_space<vmem>>, vector<1x16xf32>,
      %get3A_285 = vector.shape_cast %get3A_284 : vector<1x16xf32> to vector<16xf32>
      %get3A_286 = arith.constant 1 : i32
      %get3A_287 = arith.index_cast %get3A_286 : i32 to index
      %get3A_288 = arith.index_cast %mul3A_281 : i32 to index
      %get3A_289 = tpu.vector_load %arg8[%get3A_287, %get3A_288] {strides = array<i32>} : memref<2x4096xf32, #tpu.memory_space<vmem>>, vector<1x16xf32>,
      %get3A_290 = vector.shape_cast %get3A_289 : vector<1x16xf32> to vector<16xf32>
      %exp3A = math.exp %get3A_290 : vector<16xf32>
      %exp3A_291 = math.exp %get3A_285 : vector<16xf32>
      %add3A_292 = arith.addf %scan3A_277, %exp3A_291 : vector<16xf32>
      %add3A_293 = arith.addf %scan3A_278, %exp3A : vector<16xf32>
      %mul3A_294 = arith.mulf %exp3A, %get3A_285 : vector<16xf32>
      %add3A_295 = arith.addf %scan3A_279, %mul3A_294 : vector<16xf32>
      %scan3A_296 = arith.constant 1 : i32
      %scan3A_297 = arith.addi %scan3A_276, %scan3A_296 : i32
      %mul3A_298 = arith.constant 16 : i32
      %mul3A_299 = arith.muli %scan3A_297, %mul3A_298 : i32
      %get3A_300 = arith.constant 1 : i32
      %get3A_301 = arith.index_cast %get3A_300 : i32 to index
      %get3A_302 = arith.index_cast %mul3A_299 : i32 to index
      %get3A_303 = tpu.vector_load %arg7[%get3A_301, %get3A_302] {strides = array<i32>} : memref<2x4096xf32, #tpu.memory_space<vmem>>, vector<1x16xf32>,
      %get3A_304 = vector.shape_cast %get3A_303 : vector<1x16xf32> to vector<16xf32>
      %get3A_305 = arith.constant 1 : i32
      %get3A_306 = arith.index_cast %get3A_305 : i32 to index
      %get3A_307 = arith.index_cast %mul3A_299 : i32 to index
      %get3A_308 = tpu.vector_load %arg8[%get3A_306, %get3A_307] {strides = array<i32>} : memref<2x4096xf32, #tpu.memory_space<vmem>>, vector<1x16xf32>,
      %get3A_309 = vector.shape_cast %get3A_308 : vector<1x16xf32> to vector<16xf32>
      %exp3A_310 = math.exp %get3A_309 : vector<16xf32>
      %exp3A_311 = math.exp %get3A_304 : vector<16xf32>
      %add3A_312 = arith.addf %add3A_292, %exp3A_311 : vector<16xf32>
      %add3A_313 = arith.addf %add3A_293, %exp3A_310 : vector<16xf32>
      %mul3A_314 = arith.mulf %exp3A_310, %get3A_304 : vector<16xf32>
      %add3A_315 = arith.addf %add3A_295, %mul3A_314 : vector<16xf32>
      %scan3A_316 = arith.constant 2 : i32
      %scan3A_317 = arith.addi %scan3A_276, %scan3A_316 : i32
      %mul3A_318 = arith.constant 16 : i32
      %mul3A_319 = arith.muli %scan3A_317, %mul3A_318 : i32
      %get3A_320 = arith.constant 1 : i32
      %get3A_321 = arith.index_cast %get3A_320 : i32 to index
      %get3A_322 = arith.index_cast %mul3A_319 : i32 to index
      %get3A_323 = tpu.vector_load %arg7[%get3A_321, %get3A_322] {strides = array<i32>} : memref<2x4096xf32, #tpu.memory_space<vmem>>, vector<1x16xf32>,
      %get3A_324 = vector.shape_cast %get3A_323 : vector<1x16xf32> to vector<16xf32>
      %get3A_325 = arith.constant 1 : i32
      %get3A_326 = arith.index_cast %get3A_325 : i32 to index
      %get3A_327 = arith.index_cast %mul3A_319 : i32 to index
      %get3A_328 = tpu.vector_load %arg8[%get3A_326, %get3A_327] {strides = array<i32>} : memref<2x4096xf32, #tpu.memory_space<vmem>>, vector<1x16xf32>,
      %get3A_329 = vector.shape_cast %get3A_328 : vector<1x16xf32> to vector<16xf32>
      %exp3A_330 = math.exp %get3A_329 : vector<16xf32>
      %exp3A_331 = math.exp %get3A_324 : vector<16xf32>
      %add3A_332 = arith.addf %add3A_312, %exp3A_331 : vector<16xf32>
      %add3A_333 = arith.addf %add3A_313, %exp3A_330 : vector<16xf32>
      %mul3A_334 = arith.mulf %exp3A_330, %get3A_324 : vector<16xf32>
      %add3A_335 = arith.addf %add3A_315, %mul3A_334 : vector<16xf32>
      %scan3A_336 = arith.constant 3 : i32
      %scan3A_337 = arith.addi %scan3A_276, %scan3A_336 : i32
      %mul3A_338 = arith.constant 16 : i32
      %mul3A_339 = arith.muli %scan3A_337, %mul3A_338 : i32
      %get3A_340 = arith.constant 1 : i32
      %get3A_341 = arith.index_cast %get3A_340 : i32 to index
      %get3A_342 = arith.index_cast %mul3A_339 : i32 to index
      %get3A_343 = tpu.vector_load %arg7[%get3A_341, %get3A_342] {strides = array<i32>} : memref<2x4096xf32, #tpu.memory_space<vmem>>, vector<1x16xf32>,
      %get3A_344 = vector.shape_cast %get3A_343 : vector<1x16xf32> to vector<16xf32>
      %get3A_345 = arith.constant 1 : i32
      %get3A_346 = arith.index_cast %get3A_345 : i32 to index
      %get3A_347 = arith.index_cast %mul3A_339 : i32 to index
      %get3A_348 = tpu.vector_load %arg8[%get3A_346, %get3A_347] {strides = array<i32>} : memref<2x4096xf32, #tpu.memory_space<vmem>>, vector<1x16xf32>,
      %get3A_349 = vector.shape_cast %get3A_348 : vector<1x16xf32> to vector<16xf32>
      %exp3A_350 = math.exp %get3A_349 : vector<16xf32>
      %exp3A_351 = math.exp %get3A_344 : vector<16xf32>
      %add3A_352 = arith.addf %add3A_332, %exp3A_351 : vector<16xf32>
      %add3A_353 = arith.addf %add3A_333, %exp3A_350 : vector<16xf32>
      %mul3A_354 = arith.mulf %exp3A_350, %get3A_344 : vector<16xf32>
      %add3A_355 = arith.addf %add3A_335, %mul3A_354 : vector<16xf32>
      scf.yield %add3A_352, %add3A_353, %add3A_355 : vector<16xf32>, vector<16xf32>, vector<16xf32>
    }
    %scan3A_201 = arith.constant 256 : i32
    %swap3A_202 = arith.constant 0 : i32
    %swap3A_203 = arith.index_cast %swap3A_202 : i32 to index
    %swap3A_204 = arith.constant 16 : index
    %swap3A_205 = tpu.vector_load %arg11[%swap3A_203, %swap3A_204] {strides = array<i32>} : memref<1x128xf32, #tpu.memory_space<vmem>>, vector<1x16xf32>,
    %swap3A_206 = vector.shape_cast %swap3A_205 : vector<1x16xf32> to vector<16xf32>
    %swap3A_207 = vector.shape_cast %scan3A_200#0 : vector<16xf32> to vector<1x16xf32>
    tpu.vector_store %arg11[%swap3A_203, %swap3A_204], %swap3A_207 {strides = array<i32>} : memref<1x128xf32, #tpu.memory_space<vmem>>, vector<1x16xf32>,
    %swap3A_208 = arith.constant 0 : i32
    %swap3A_209 = arith.index_cast %swap3A_208 : i32 to index
    %swap3A_210 = arith.constant 16 : index
    %swap3A_211 = tpu.vector_load %arg12[%swap3A_209, %swap3A_210] {strides = array<i32>} : memref<1x128xf32, #tpu.memory_space<vmem>>, vector<1x16xf32>,
    %swap3A_212 = vector.shape_cast %swap3A_211 : vector<1x16xf32> to vector<16xf32>
    %swap3A_213 = vector.shape_cast %scan3A_200#1 : vector<16xf32> to vector<1x16xf32>
    tpu.vector_store %arg12[%swap3A_209, %swap3A_210], %swap3A_213 {strides = array<i32>} : memref<1x128xf32, #tpu.memory_space<vmem>>, vector<1x16xf32>,
    %swap3A_214 = arith.constant 0 : i32
    %swap3A_215 = arith.index_cast %swap3A_214 : i32 to index
    %swap3A_216 = arith.constant 16 : index
    %swap3A_217 = tpu.vector_load %arg13[%swap3A_215, %swap3A_216] {strides = array<i32>} : memref<1x128xf32, #tpu.memory_space<vmem>>, vector<1x16xf32>,
    %swap3A_218 = vector.shape_cast %swap3A_217 : vector<1x16xf32> to vector<16xf32>
    %swap3A_219 = vector.shape_cast %scan3A_200#2 : vector<16xf32> to vector<1x16xf32>
    tpu.vector_store %arg13[%swap3A_215, %swap3A_216], %swap3A_219 {strides = array<i32>} : memref<1x128xf32, #tpu.memory_space<vmem>>, vector<1x16xf32>,
    %dma_wait3A_220 = arith.constant 0 : i32
    %dma_wait3A_221 = tpu.memref_slice %arg2[%add3A_164, %dma_wait3A_220] : memref<512x4096xf32, #tpu.memory_space<hbm>> -> memref<2x4096xf32, #tpu.memory_space<hbm>>
    %dma_wait3A_222 = arith.constant 0 : i32
    %dma_wait3A_223 = tpu.memref_slice %arg2[%add3A_164, %dma_wait3A_222] : memref<512x4096xf32, #tpu.memory_space<hbm>> -> memref<2x4096xf32, #tpu.memory_space<hbm>>
    tpu.wait_dma2 semaphore(%arg16 : memref<!tpu.dma_semaphore, #tpu.memory_space<semaphore_mem>>) src(%dma_wait3A_223 : memref<2x4096xf32, #tpu.memory_space<hbm>>) dst(%arg9 : memref<2x4096xf32, #tpu.memory_space<vmem>>)
    %dma_wait3A_224 = arith.constant 0 : i32
    %dma_wait3A_225 = tpu.memref_slice %arg3[%add3A_164, %dma_wait3A_224] : memref<512x4096xf32, #tpu.memory_space<hbm>> -> memref<2x4096xf32, #tpu.memory_space<hbm>>
    %dma_wait3A_226 = arith.constant 0 : i32
    %dma_wait3A_227 = tpu.memref_slice %arg3[%add3A_164, %dma_wait3A_226] : memref<512x4096xf32, #tpu.memory_space<hbm>> -> memref<2x4096xf32, #tpu.memory_space<hbm>>
    tpu.wait_dma2 semaphore(%arg17 : memref<!tpu.dma_semaphore, #tpu.memory_space<semaphore_mem>>) src(%dma_wait3A_227 : memref<2x4096xf32, #tpu.memory_space<hbm>>) dst(%arg10 : memref<2x4096xf32, #tpu.memory_space<vmem>>)
    %scan3A_228 = arith.constant 0 : i32
    %scan3A_229 = arith.constant 256 : i32
    %scan3A_230 = arith.addi %scan3A_228, %scan3A_229 : i32
    %scan3A_231 = arith.constant 4 : i32
    %scan3A_232:3 = scf.for %scan3A_276 = %scan3A_228 to %scan3A_230 step %scan3A_231 iter_args(%scan3A_277 = %broadcast_in_dim3A_3, %scan3A_278 = %broadcast_in_dim3A_3, %scan3A_279 = %broadcast_in_dim3A_3) -> (vector<16xf32>, vector<16xf32>, vector<16xf32>)  : i32 {
      %mul3A_280 = arith.constant 16 : i32
      %mul3A_281 = arith.muli %scan3A_276, %mul3A_280 : i32
      %get3A = arith.constant 0 : i32
      %get3A_282 = arith.index_cast %get3A : i32 to index
      %get3A_283 = arith.index_cast %mul3A_281 : i32 to index
      %get3A_284 = tpu.vector_load %arg9[%get3A_282, %get3A_283] {strides = array<i32>} : memref<2x4096xf32, #tpu.memory_space<vmem>>, vector<1x16xf32>,
      %get3A_285 = vector.shape_cast %get3A_284 : vector<1x16xf32> to vector<16xf32>
      %get3A_286 = arith.constant 0 : i32
      %get3A_287 = arith.index_cast %get3A_286 : i32 to index
      %get3A_288 = arith.index_cast %mul3A_281 : i32 to index
      %get3A_289 = tpu.vector_load %arg10[%get3A_287, %get3A_288] {strides = array<i32>} : memref<2x4096xf32, #tpu.memory_space<vmem>>, vector<1x16xf32>,
      %get3A_290 = vector.shape_cast %get3A_289 : vector<1x16xf32> to vector<16xf32>
      %exp3A = math.exp %get3A_290 : vector<16xf32>
      %exp3A_291 = math.exp %get3A_285 : vector<16xf32>
      %add3A_292 = arith.addf %scan3A_277, %exp3A_291 : vector<16xf32>
      %add3A_293 = arith.addf %scan3A_278, %exp3A : vector<16xf32>
      %mul3A_294 = arith.mulf %exp3A, %get3A_285 : vector<16xf32>
      %add3A_295 = arith.addf %scan3A_279, %mul3A_294 : vector<16xf32>
      %scan3A_296 = arith.constant 1 : i32
      %scan3A_297 = arith.addi %scan3A_276, %scan3A_296 : i32
      %mul3A_298 = arith.constant 16 : i32
      %mul3A_299 = arith.muli %scan3A_297, %mul3A_298 : i32
      %get3A_300 = arith.constant 0 : i32
      %get3A_301 = arith.index_cast %get3A_300 : i32 to index
      %get3A_302 = arith.index_cast %mul3A_299 : i32 to index
      %get3A_303 = tpu.vector_load %arg9[%get3A_301, %get3A_302] {strides = array<i32>} : memref<2x4096xf32, #tpu.memory_space<vmem>>, vector<1x16xf32>,
      %get3A_304 = vector.shape_cast %get3A_303 : vector<1x16xf32> to vector<16xf32>
      %get3A_305 = arith.constant 0 : i32
      %get3A_306 = arith.index_cast %get3A_305 : i32 to index
      %get3A_307 = arith.index_cast %mul3A_299 : i32 to index
      %get3A_308 = tpu.vector_load %arg10[%get3A_306, %get3A_307] {strides = array<i32>} : memref<2x4096xf32, #tpu.memory_space<vmem>>, vector<1x16xf32>,
      %get3A_309 = vector.shape_cast %get3A_308 : vector<1x16xf32> to vector<16xf32>
      %exp3A_310 = math.exp %get3A_309 : vector<16xf32>
      %exp3A_311 = math.exp %get3A_304 : vector<16xf32>
      %add3A_312 = arith.addf %add3A_292, %exp3A_311 : vector<16xf32>
      %add3A_313 = arith.addf %add3A_293, %exp3A_310 : vector<16xf32>
      %mul3A_314 = arith.mulf %exp3A_310, %get3A_304 : vector<16xf32>
      %add3A_315 = arith.addf %add3A_295, %mul3A_314 : vector<16xf32>
      %scan3A_316 = arith.constant 2 : i32
      %scan3A_317 = arith.addi %scan3A_276, %scan3A_316 : i32
      %mul3A_318 = arith.constant 16 : i32
      %mul3A_319 = arith.muli %scan3A_317, %mul3A_318 : i32
      %get3A_320 = arith.constant 0 : i32
      %get3A_321 = arith.index_cast %get3A_320 : i32 to index
      %get3A_322 = arith.index_cast %mul3A_319 : i32 to index
      %get3A_323 = tpu.vector_load %arg9[%get3A_321, %get3A_322] {strides = array<i32>} : memref<2x4096xf32, #tpu.memory_space<vmem>>, vector<1x16xf32>,
      %get3A_324 = vector.shape_cast %get3A_323 : vector<1x16xf32> to vector<16xf32>
      %get3A_325 = arith.constant 0 : i32
      %get3A_326 = arith.index_cast %get3A_325 : i32 to index
      %get3A_327 = arith.index_cast %mul3A_319 : i32 to index
      %get3A_328 = tpu.vector_load %arg10[%get3A_326, %get3A_327] {strides = array<i32>} : memref<2x4096xf32, #tpu.memory_space<vmem>>, vector<1x16xf32>,
      %get3A_329 = vector.shape_cast %get3A_328 : vector<1x16xf32> to vector<16xf32>
      %exp3A_330 = math.exp %get3A_329 : vector<16xf32>
      %exp3A_331 = math.exp %get3A_324 : vector<16xf32>
      %add3A_332 = arith.addf %add3A_312, %exp3A_331 : vector<16xf32>
      %add3A_333 = arith.addf %add3A_313, %exp3A_330 : vector<16xf32>
      %mul3A_334 = arith.mulf %exp3A_330, %get3A_324 : vector<16xf32>
      %add3A_335 = arith.addf %add3A_315, %mul3A_334 : vector<16xf32>
      %scan3A_336 = arith.constant 3 : i32
      %scan3A_337 = arith.addi %scan3A_276, %scan3A_336 : i32
      %mul3A_338 = arith.constant 16 : i32
      %mul3A_339 = arith.muli %scan3A_337, %mul3A_338 : i32
      %get3A_340 = arith.constant 0 : i32
      %get3A_341 = arith.index_cast %get3A_340 : i32 to index
      %get3A_342 = arith.index_cast %mul3A_339 : i32 to index
      %get3A_343 = tpu.vector_load %arg9[%get3A_341, %get3A_342] {strides = array<i32>} : memref<2x4096xf32, #tpu.memory_space<vmem>>, vector<1x16xf32>,
      %get3A_344 = vector.shape_cast %get3A_343 : vector<1x16xf32> to vector<16xf32>
      %get3A_345 = arith.constant 0 : i32
      %get3A_346 = arith.index_cast %get3A_345 : i32 to index
      %get3A_347 = arith.index_cast %mul3A_339 : i32 to index
      %get3A_348 = tpu.vector_load %arg10[%get3A_346, %get3A_347] {strides = array<i32>} : memref<2x4096xf32, #tpu.memory_space<vmem>>, vector<1x16xf32>,
      %get3A_349 = vector.shape_cast %get3A_348 : vector<1x16xf32> to vector<16xf32>
      %exp3A_350 = math.exp %get3A_349 : vector<16xf32>
      %exp3A_351 = math.exp %get3A_344 : vector<16xf32>
      %add3A_352 = arith.addf %add3A_332, %exp3A_351 : vector<16xf32>
      %add3A_353 = arith.addf %add3A_333, %exp3A_350 : vector<16xf32>
      %mul3A_354 = arith.mulf %exp3A_350, %get3A_344 : vector<16xf32>
      %add3A_355 = arith.addf %add3A_335, %mul3A_354 : vector<16xf32>
      scf.yield %add3A_352, %add3A_353, %add3A_355 : vector<16xf32>, vector<16xf32>, vector<16xf32>
    }
    %scan3A_233 = arith.constant 256 : i32
    %swap3A_234 = arith.constant 0 : i32
    %swap3A_235 = arith.index_cast %swap3A_234 : i32 to index
    %swap3A_236 = arith.constant 32 : index
    %swap3A_237 = tpu.vector_load %arg11[%swap3A_235, %swap3A_236] {strides = array<i32>} : memref<1x128xf32, #tpu.memory_space<vmem>>, vector<1x16xf32>,
    %swap3A_238 = vector.shape_cast %swap3A_237 : vector<1x16xf32> to vector<16xf32>
    %swap3A_239 = vector.shape_cast %scan3A_232#0 : vector<16xf32> to vector<1x16xf32>
    tpu.vector_store %arg11[%swap3A_235, %swap3A_236], %swap3A_239 {strides = array<i32>} : memref<1x128xf32, #tpu.memory_space<vmem>>, vector<1x16xf32>,
    %swap3A_240 = arith.constant 0 : i32
    %swap3A_241 = arith.index_cast %swap3A_240 : i32 to index
    %swap3A_242 = arith.constant 32 : index
    %swap3A_243 = tpu.vector_load %arg12[%swap3A_241, %swap3A_242] {strides = array<i32>} : memref<1x128xf32, #tpu.memory_space<vmem>>, vector<1x16xf32>,
    %swap3A_244 = vector.shape_cast %swap3A_243 : vector<1x16xf32> to vector<16xf32>
    %swap3A_245 = vector.shape_cast %scan3A_232#1 : vector<16xf32> to vector<1x16xf32>
    tpu.vector_store %arg12[%swap3A_241, %swap3A_242], %swap3A_245 {strides = array<i32>} : memref<1x128xf32, #tpu.memory_space<vmem>>, vector<1x16xf32>,
    %swap3A_246 = arith.constant 0 : i32
    %swap3A_247 = arith.index_cast %swap3A_246 : i32 to index
    %swap3A_248 = arith.constant 32 : index
    %swap3A_249 = tpu.vector_load %arg13[%swap3A_247, %swap3A_248] {strides = array<i32>} : memref<1x128xf32, #tpu.memory_space<vmem>>, vector<1x16xf32>,
    %swap3A_250 = vector.shape_cast %swap3A_249 : vector<1x16xf32> to vector<16xf32>
    %swap3A_251 = vector.shape_cast %scan3A_232#2 : vector<16xf32> to vector<1x16xf32>
    tpu.vector_store %arg13[%swap3A_247, %swap3A_248], %swap3A_251 {strides = array<i32>} : memref<1x128xf32, #tpu.memory_space<vmem>>, vector<1x16xf32>,
    %scan3A_252 = arith.constant 0 : i32
    %scan3A_253 = arith.constant 256 : i32
    %scan3A_254 = arith.addi %scan3A_252, %scan3A_253 : i32
    %scan3A_255 = arith.constant 4 : i32
    %scan3A_256:3 = scf.for %scan3A_276 = %scan3A_252 to %scan3A_254 step %scan3A_255 iter_args(%scan3A_277 = %broadcast_in_dim3A_3, %scan3A_278 = %broadcast_in_dim3A_3, %scan3A_279 = %broadcast_in_dim3A_3) -> (vector<16xf32>, vector<16xf32>, vector<16xf32>)  : i32 {
      %mul3A_280 = arith.constant 16 : i32
      %mul3A_281 = arith.muli %scan3A_276, %mul3A_280 : i32
      %get3A = arith.constant 1 : i32
      %get3A_282 = arith.index_cast %get3A : i32 to index
      %get3A_283 = arith.index_cast %mul3A_281 : i32 to index
      %get3A_284 = tpu.vector_load %arg9[%get3A_282, %get3A_283] {strides = array<i32>} : memref<2x4096xf32, #tpu.memory_space<vmem>>, vector<1x16xf32>,
      %get3A_285 = vector.shape_cast %get3A_284 : vector<1x16xf32> to vector<16xf32>
      %get3A_286 = arith.constant 1 : i32
      %get3A_287 = arith.index_cast %get3A_286 : i32 to index
      %get3A_288 = arith.index_cast %mul3A_281 : i32 to index
      %get3A_289 = tpu.vector_load %arg10[%get3A_287, %get3A_288] {strides = array<i32>} : memref<2x4096xf32, #tpu.memory_space<vmem>>, vector<1x16xf32>,
      %get3A_290 = vector.shape_cast %get3A_289 : vector<1x16xf32> to vector<16xf32>
      %exp3A = math.exp %get3A_290 : vector<16xf32>
      %exp3A_291 = math.exp %get3A_285 : vector<16xf32>
      %add3A_292 = arith.addf %scan3A_277, %exp3A_291 : vector<16xf32>
      %add3A_293 = arith.addf %scan3A_278, %exp3A : vector<16xf32>
      %mul3A_294 = arith.mulf %exp3A, %get3A_285 : vector<16xf32>
      %add3A_295 = arith.addf %scan3A_279, %mul3A_294 : vector<16xf32>
      %scan3A_296 = arith.constant 1 : i32
      %scan3A_297 = arith.addi %scan3A_276, %scan3A_296 : i32
      %mul3A_298 = arith.constant 16 : i32
      %mul3A_299 = arith.muli %scan3A_297, %mul3A_298 : i32
      %get3A_300 = arith.constant 1 : i32
      %get3A_301 = arith.index_cast %get3A_300 : i32 to index
      %get3A_302 = arith.index_cast %mul3A_299 : i32 to index
      %get3A_303 = tpu.vector_load %arg9[%get3A_301, %get3A_302] {strides = array<i32>} : memref<2x4096xf32, #tpu.memory_space<vmem>>, vector<1x16xf32>,
      %get3A_304 = vector.shape_cast %get3A_303 : vector<1x16xf32> to vector<16xf32>
      %get3A_305 = arith.constant 1 : i32
      %get3A_306 = arith.index_cast %get3A_305 : i32 to index
      %get3A_307 = arith.index_cast %mul3A_299 : i32 to index
      %get3A_308 = tpu.vector_load %arg10[%get3A_306, %get3A_307] {strides = array<i32>} : memref<2x4096xf32, #tpu.memory_space<vmem>>, vector<1x16xf32>,
      %get3A_309 = vector.shape_cast %get3A_308 : vector<1x16xf32> to vector<16xf32>
      %exp3A_310 = math.exp %get3A_309 : vector<16xf32>
      %exp3A_311 = math.exp %get3A_304 : vector<16xf32>
      %add3A_312 = arith.addf %add3A_292, %exp3A_311 : vector<16xf32>
      %add3A_313 = arith.addf %add3A_293, %exp3A_310 : vector<16xf32>
      %mul3A_314 = arith.mulf %exp3A_310, %get3A_304 : vector<16xf32>
      %add3A_315 = arith.addf %add3A_295, %mul3A_314 : vector<16xf32>
      %scan3A_316 = arith.constant 2 : i32
      %scan3A_317 = arith.addi %scan3A_276, %scan3A_316 : i32
      %mul3A_318 = arith.constant 16 : i32
      %mul3A_319 = arith.muli %scan3A_317, %mul3A_318 : i32
      %get3A_320 = arith.constant 1 : i32
      %get3A_321 = arith.index_cast %get3A_320 : i32 to index
      %get3A_322 = arith.index_cast %mul3A_319 : i32 to index
      %get3A_323 = tpu.vector_load %arg9[%get3A_321, %get3A_322] {strides = array<i32>} : memref<2x4096xf32, #tpu.memory_space<vmem>>, vector<1x16xf32>,
      %get3A_324 = vector.shape_cast %get3A_323 : vector<1x16xf32> to vector<16xf32>
      %get3A_325 = arith.constant 1 : i32
      %get3A_326 = arith.index_cast %get3A_325 : i32 to index
      %get3A_327 = arith.index_cast %mul3A_319 : i32 to index
      %get3A_328 = tpu.vector_load %arg10[%get3A_326, %get3A_327] {strides = array<i32>} : memref<2x4096xf32, #tpu.memory_space<vmem>>, vector<1x16xf32>,
      %get3A_329 = vector.shape_cast %get3A_328 : vector<1x16xf32> to vector<16xf32>
      %exp3A_330 = math.exp %get3A_329 : vector<16xf32>
      %exp3A_331 = math.exp %get3A_324 : vector<16xf32>
      %add3A_332 = arith.addf %add3A_312, %exp3A_331 : vector<16xf32>
      %add3A_333 = arith.addf %add3A_313, %exp3A_330 : vector<16xf32>
      %mul3A_334 = arith.mulf %exp3A_330, %get3A_324 : vector<16xf32>
      %add3A_335 = arith.addf %add3A_315, %mul3A_334 : vector<16xf32>
      %scan3A_336 = arith.constant 3 : i32
      %scan3A_337 = arith.addi %scan3A_276, %scan3A_336 : i32
      %mul3A_338 = arith.constant 16 : i32
      %mul3A_339 = arith.muli %scan3A_337, %mul3A_338 : i32
      %get3A_340 = arith.constant 1 : i32
      %get3A_341 = arith.index_cast %get3A_340 : i32 to index
      %get3A_342 = arith.index_cast %mul3A_339 : i32 to index
      %get3A_343 = tpu.vector_load %arg9[%get3A_341, %get3A_342] {strides = array<i32>} : memref<2x4096xf32, #tpu.memory_space<vmem>>, vector<1x16xf32>,
      %get3A_344 = vector.shape_cast %get3A_343 : vector<1x16xf32> to vector<16xf32>
      %get3A_345 = arith.constant 1 : i32
      %get3A_346 = arith.index_cast %get3A_345 : i32 to index
      %get3A_347 = arith.index_cast %mul3A_339 : i32 to index
      %get3A_348 = tpu.vector_load %arg10[%get3A_346, %get3A_347] {strides = array<i32>} : memref<2x4096xf32, #tpu.memory_space<vmem>>, vector<1x16xf32>,
      %get3A_349 = vector.shape_cast %get3A_348 : vector<1x16xf32> to vector<16xf32>
      %exp3A_350 = math.exp %get3A_349 : vector<16xf32>
      %exp3A_351 = math.exp %get3A_344 : vector<16xf32>
      %add3A_352 = arith.addf %add3A_332, %exp3A_351 : vector<16xf32>
      %add3A_353 = arith.addf %add3A_333, %exp3A_350 : vector<16xf32>
      %mul3A_354 = arith.mulf %exp3A_350, %get3A_344 : vector<16xf32>
      %add3A_355 = arith.addf %add3A_335, %mul3A_354 : vector<16xf32>
      scf.yield %add3A_352, %add3A_353, %add3A_355 : vector<16xf32>, vector<16xf32>, vector<16xf32>
    }
    %scan3A_257 = arith.constant 256 : i32
    %swap3A_258 = arith.constant 0 : i32
    %swap3A_259 = arith.index_cast %swap3A_258 : i32 to index
    %swap3A_260 = arith.constant 48 : index
    %swap3A_261 = tpu.vector_load %arg11[%swap3A_259, %swap3A_260] {strides = array<i32>} : memref<1x128xf32, #tpu.memory_space<vmem>>, vector<1x16xf32>,
    %swap3A_262 = vector.shape_cast %swap3A_261 : vector<1x16xf32> to vector<16xf32>
    %swap3A_263 = vector.shape_cast %scan3A_256#0 : vector<16xf32> to vector<1x16xf32>
    tpu.vector_store %arg11[%swap3A_259, %swap3A_260], %swap3A_263 {strides = array<i32>} : memref<1x128xf32, #tpu.memory_space<vmem>>, vector<1x16xf32>,
    %swap3A_264 = arith.constant 0 : i32
    %swap3A_265 = arith.index_cast %swap3A_264 : i32 to index
    %swap3A_266 = arith.constant 48 : index
    %swap3A_267 = tpu.vector_load %arg12[%swap3A_265, %swap3A_266] {strides = array<i32>} : memref<1x128xf32, #tpu.memory_space<vmem>>, vector<1x16xf32>,
    %swap3A_268 = vector.shape_cast %swap3A_267 : vector<1x16xf32> to vector<16xf32>
    %swap3A_269 = vector.shape_cast %scan3A_256#1 : vector<16xf32> to vector<1x16xf32>
    tpu.vector_store %arg12[%swap3A_265, %swap3A_266], %swap3A_269 {strides = array<i32>} : memref<1x128xf32, #tpu.memory_space<vmem>>, vector<1x16xf32>,
    %swap3A_270 = arith.constant 0 : i32
    %swap3A_271 = arith.index_cast %swap3A_270 : i32 to index
    %swap3A_272 = arith.constant 48 : index
    %swap3A_273 = tpu.vector_load %arg13[%swap3A_271, %swap3A_272] {strides = array<i32>} : memref<1x128xf32, #tpu.memory_space<vmem>>, vector<1x16xf32>,
    %swap3A_274 = vector.shape_cast %swap3A_273 : vector<1x16xf32> to vector<16xf32>
    %swap3A_275 = vector.shape_cast %scan3A_256#2 : vector<16xf32> to vector<1x16xf32>
    tpu.vector_store %arg13[%swap3A_271, %swap3A_272], %swap3A_275 {strides = array<i32>} : memref<1x128xf32, #tpu.memory_space<vmem>>, vector<1x16xf32>,
    "tpu.region"() ({
      %run_scoped3A = tpu.sem_alloc : memref<!tpu.dma_semaphore, #tpu.memory_space<semaphore_mem>>
      %dma_start3A_276 = arith.constant 0 : i32
      %dma_start3A_277 = tpu.memref_slice %arg4[%add3A, %dma_start3A_276] : memref<32x128xf32, #tpu.memory_space<hbm>> -> memref<1x128xf32, #tpu.memory_space<hbm>>
      %dma_start3A_278 = arith.constant 0 : i32
      %dma_start3A_279 = tpu.memref_slice %arg4[%add3A, %dma_start3A_278] : memref<32x128xf32, #tpu.memory_space<hbm>> -> memref<1x128xf32, #tpu.memory_space<hbm>>
      tpu.enqueue_dma source(%arg11 : memref<1x128xf32, #tpu.memory_space<vmem>>) target(%dma_start3A_279 : memref<1x128xf32, #tpu.memory_space<hbm>>) target_semaphore(%run_scoped3A : memref<!tpu.dma_semaphore, #tpu.memory_space<semaphore_mem>>)
      %dma_wait3A_280 = arith.constant 0 : i32
      %dma_wait3A_281 = tpu.memref_slice %arg4[%add3A, %dma_wait3A_280] : memref<32x128xf32, #tpu.memory_space<hbm>> -> memref<1x128xf32, #tpu.memory_space<hbm>>
      %dma_wait3A_282 = arith.constant 0 : i32
      %dma_wait3A_283 = tpu.memref_slice %arg4[%add3A, %dma_wait3A_282] : memref<32x128xf32, #tpu.memory_space<hbm>> -> memref<1x128xf32, #tpu.memory_space<hbm>>
      tpu.wait_dma2 semaphore(%run_scoped3A : memref<!tpu.dma_semaphore, #tpu.memory_space<semaphore_mem>>) src(%arg11 : memref<1x128xf32, #tpu.memory_space<vmem>>) dst(%dma_wait3A_283 : memref<1x128xf32, #tpu.memory_space<hbm>>)
      tpu.yield
    }) : () -> ()
    "tpu.region"() ({
      %run_scoped3A = tpu.sem_alloc : memref<!tpu.dma_semaphore, #tpu.memory_space<semaphore_mem>>
      %dma_start3A_276 = arith.constant 0 : i32
      %dma_start3A_277 = tpu.memref_slice %arg5[%add3A, %dma_start3A_276] : memref<32x128xf32, #tpu.memory_space<hbm>> -> memref<1x128xf32, #tpu.memory_space<hbm>>
      %dma_start3A_278 = arith.constant 0 : i32
      %dma_start3A_279 = tpu.memref_slice %arg5[%add3A, %dma_start3A_278] : memref<32x128xf32, #tpu.memory_space<hbm>> -> memref<1x128xf32, #tpu.memory_space<hbm>>
      tpu.enqueue_dma source(%arg12 : memref<1x128xf32, #tpu.memory_space<vmem>>) target(%dma_start3A_279 : memref<1x128xf32, #tpu.memory_space<hbm>>) target_semaphore(%run_scoped3A : memref<!tpu.dma_semaphore, #tpu.memory_space<semaphore_mem>>)
      %dma_wait3A_280 = arith.constant 0 : i32
      %dma_wait3A_281 = tpu.memref_slice %arg5[%add3A, %dma_wait3A_280] : memref<32x128xf32, #tpu.memory_space<hbm>> -> memref<1x128xf32, #tpu.memory_space<hbm>>
      %dma_wait3A_282 = arith.constant 0 : i32
      %dma_wait3A_283 = tpu.memref_slice %arg5[%add3A, %dma_wait3A_282] : memref<32x128xf32, #tpu.memory_space<hbm>> -> memref<1x128xf32, #tpu.memory_space<hbm>>
      tpu.wait_dma2 semaphore(%run_scoped3A : memref<!tpu.dma_semaphore, #tpu.memory_space<semaphore_mem>>) src(%arg12 : memref<1x128xf32, #tpu.memory_space<vmem>>) dst(%dma_wait3A_283 : memref<1x128xf32, #tpu.memory_space<hbm>>)
      tpu.yield
    }) : () -> ()
    "tpu.region"() ({
      %run_scoped3A = tpu.sem_alloc : memref<!tpu.dma_semaphore, #tpu.memory_space<semaphore_mem>>
      %dma_start3A_276 = arith.constant 0 : i32
      %dma_start3A_277 = tpu.memref_slice %arg6[%add3A, %dma_start3A_276] : memref<32x128xf32, #tpu.memory_space<hbm>> -> memref<1x128xf32, #tpu.memory_space<hbm>>
      %dma_start3A_278 = arith.constant 0 : i32
      %dma_start3A_279 = tpu.memref_slice %arg6[%add3A, %dma_start3A_278] : memref<32x128xf32, #tpu.memory_space<hbm>> -> memref<1x128xf32, #tpu.memory_space<hbm>>
      tpu.enqueue_dma source(%arg13 : memref<1x128xf32, #tpu.memory_space<vmem>>) target(%dma_start3A_279 : memref<1x128xf32, #tpu.memory_space<hbm>>) target_semaphore(%run_scoped3A : memref<!tpu.dma_semaphore, #tpu.memory_space<semaphore_mem>>)
      %dma_wait3A_280 = arith.constant 0 : i32
      %dma_wait3A_281 = tpu.memref_slice %arg6[%add3A, %dma_wait3A_280] : memref<32x128xf32, #tpu.memory_space<hbm>> -> memref<1x128xf32, #tpu.memory_space<hbm>>
      %dma_wait3A_282 = arith.constant 0 : i32
      %dma_wait3A_283 = tpu.memref_slice %arg6[%add3A, %dma_wait3A_282] : memref<32x128xf32, #tpu.memory_space<hbm>> -> memref<1x128xf32, #tpu.memory_space<hbm>>
      tpu.wait_dma2 semaphore(%run_scoped3A : memref<!tpu.dma_semaphore, #tpu.memory_space<semaphore_mem>>) src(%arg13 : memref<1x128xf32, #tpu.memory_space<vmem>>) dst(%dma_wait3A_283 : memref<1x128xf32, #tpu.memory_space<hbm>>)
      tpu.yield
    }) : () -> ()
    return
  }
}

module attributes {stable_mosaic.version = 14 : i64} {
  func.func @_tc_rows_body(%arg0: i32, %arg1: memref<128x4096xf32, #tpu.memory_space<vmem>>, %arg2: memref<128x4096xf32, #tpu.memory_space<vmem>>, %arg3: memref<1x1xf32, #tpu.memory_space<vmem>>) attributes {dimension_semantics = [#tpu.dimension_semantics<arbitrary>], iteration_bounds = array<i64: 3>, scalar_prefetch = 0 : i64, scratch_operands = 0 : i64, tpu.core_type = #tpu.core_type<tc>, window_params = [{transform_indices = @transform_0, window_bounds = array<i64: 128, 4096>}, {transform_indices = @transform_1, window_bounds = array<i64: 128, 4096>}, {pipeline_mode = #tpu.pipeline_mode<synchronous>, transform_indices = @transform_2, window_bounds = array<i64: 1, 1>}]} {
    %get3A = arith.constant 0 : index
    %get3A_0 = arith.constant 0 : index
    %get3A_1 = vector.load %arg1[%get3A, %get3A_0] : memref<128x4096xf32, #tpu.memory_space<vmem>>, vector<128x4096xf32>
    %get3A_2 = arith.constant 0 : index
    %get3A_3 = arith.constant 0 : index
    %get3A_4 = vector.load %arg2[%get3A_2, %get3A_3] : memref<128x4096xf32, #tpu.memory_space<vmem>>, vector<128x4096xf32>
    %exp3A = math.exp %get3A_4 : vector<128x4096xf32>
    %exp3A_5 = math.exp %get3A_1 : vector<128x4096xf32>
    %reduce_sum3A = arith.constant dense<0.000000e+00> : vector<128xf32>
    %reduce_sum3A_6 = vector.multi_reduction <add>, %exp3A_5, %reduce_sum3A [1] : vector<128x4096xf32> to vector<128xf32>
    %reduce_sum3A_7 = arith.constant dense<0.000000e+00> : vector<128xf32>
    %reduce_sum3A_8 = vector.multi_reduction <add>, %exp3A, %reduce_sum3A_7 [1] : vector<128x4096xf32> to vector<128xf32>
    %mul3A = arith.mulf %exp3A, %get3A_1 : vector<128x4096xf32>
    %reduce_sum3A_9 = arith.constant dense<0.000000e+00> : vector<128xf32>
    %reduce_sum3A_10 = vector.multi_reduction <add>, %mul3A, %reduce_sum3A_9 [1] : vector<128x4096xf32> to vector<128xf32>
    %log3A = math.log %reduce_sum3A_6 : vector<128xf32>
    %div3A = arith.divf %reduce_sum3A_10, %reduce_sum3A_8 : vector<128xf32>
    %sub3A = arith.subf %log3A, %div3A : vector<128xf32>
    %reduce_sum3A_11 = vector.shape_cast %sub3A : vector<128xf32> to vector<1x128xf32>
    %reduce_sum3A_12 = arith.constant dense<0.000000e+00> : vector<1xf32>
    %reduce_sum3A_13 = vector.multi_reduction <add>, %reduce_sum3A_11, %reduce_sum3A_12 [1] : vector<1x128xf32> to vector<1xf32>
    %reduce_sum3A_14 = vector.shape_cast %reduce_sum3A_13 : vector<1xf32> to vector<1x1xf32>
    %reduce_sum3A_15 = vector.extract %reduce_sum3A_14[0, 0] : f32 from vector<1x1xf32>
    %reshape3A = vector.broadcast %reduce_sum3A_15 : f32 to vector<1x1xf32>
    %eq3A = arith.constant 0 : i32
    %eq3A_16 = arith.cmpi eq, %arg0, %eq3A : i32
    %convert_element_type3A = arith.extui %eq3A_16 : i1 to i32
    %cond3A = arith.constant 0 : i32
    %cond3A_17 = arith.cmpi ne, %convert_element_type3A, %cond3A : i32
    scf.if %cond3A_17 {
      %broadcast_in_dim3A = arith.constant 0.000000e+00 : f32
      %broadcast_in_dim3A_23 = vector.broadcast %broadcast_in_dim3A : f32 to vector<1x1xf32>
      %swap3A_24 = arith.constant 0 : index
      %swap3A_25 = arith.constant 0 : index
      %swap3A_26 = vector.load %arg3[%swap3A_24, %swap3A_25] : memref<1x1xf32, #tpu.memory_space<vmem>>, vector<1x1xf32>
      tpu.vector_store %arg3[%swap3A_24, %swap3A_25], %broadcast_in_dim3A_23 {strides = array<i32>} : memref<1x1xf32, #tpu.memory_space<vmem>>, vector<1x1xf32>,
    } else {
    }
    %get3A_18 = arith.constant 0 : index
    %get3A_19 = arith.constant 0 : index
    %get3A_20 = vector.load %arg3[%get3A_18, %get3A_19] : memref<1x1xf32, #tpu.memory_space<vmem>>, vector<1x1xf32>
    %add3A = arith.addf %get3A_20, %reshape3A : vector<1x1xf32>
    %swap3A = arith.constant 0 : index
    %swap3A_21 = arith.constant 0 : index
    %swap3A_22 = vector.load %arg3[%swap3A, %swap3A_21] : memref<1x1xf32, #tpu.memory_space<vmem>>, vector<1x1xf32>
    tpu.vector_store %arg3[%swap3A, %swap3A_21], %add3A {strides = array<i32>} : memref<1x1xf32, #tpu.memory_space<vmem>>, vector<1x1xf32>,
    return
  }
  func.func @transform_0(%arg0: i32) -> (i32, i32) {
    %add3A = arith.constant 1 : i32
    %add3A_0 = arith.addi %arg0, %add3A : i32
    %c0_i32 = arith.constant 0 : i32
    %c0_i32_1 = arith.constant 0 : i32
    return %add3A_0, %c0_i32 : i32, i32
  }
  func.func @transform_1(%arg0: i32) -> (i32, i32) {
    %add3A = arith.constant 1 : i32
    %add3A_0 = arith.addi %arg0, %add3A : i32
    %c0_i32 = arith.constant 0 : i32
    %c0_i32_1 = arith.constant 0 : i32
    return %add3A_0, %c0_i32 : i32, i32
  }
  func.func @transform_2(%arg0: i32) -> (i32, i32) {
    %c0_i32 = arith.constant 0 : i32
    %c0_i32_0 = arith.constant 0 : i32
    %c0_i32_1 = arith.constant 0 : i32
    return %c0_i32, %c0_i32_0 : i32, i32
  }
}

module attributes {stable_mosaic.version = 14 : i64} {
  func.func @_combine_body(%arg0: memref<32x128xf32, #tpu.memory_space<vmem>>, %arg1: memref<32x128xf32, #tpu.memory_space<vmem>>, %arg2: memref<32x128xf32, #tpu.memory_space<vmem>>, %arg3: memref<1x1xf32, #tpu.memory_space<vmem>>, %arg4: memref<1x1xf32, #tpu.memory_space<vmem>>) attributes {dimension_semantics = [], scalar_prefetch = 0 : i64, scratch_operands = 0 : i64, tpu.core_type = #tpu.core_type<tc>} {
    %iota3A = tpu.iota {dimensions = array<i32: 0>} : vector<128x8xi32>
    %jit3A = arith.constant 16 : i32
    %div3A = vector.broadcast %jit3A : i32 to vector<128x8xi32>
    %div3A_0 = arith.divsi %iota3A, %div3A : vector<128x8xi32>
    %sign3A = arith.constant 0 : i32
    %sign3A_1 = vector.broadcast %sign3A : i32 to vector<128x8xi32>
    %sign3A_2 = arith.cmpi sgt, %iota3A, %sign3A_1 : vector<128x8xi32>
    %sign3A_3 = arith.extui %sign3A_2 : vector<128x8xi1> to vector<128x8xi32>
    %sign3A_4 = arith.constant 0 : i32
    %sign3A_5 = vector.broadcast %sign3A_4 : i32 to vector<128x8xi32>
    %sign3A_6 = arith.cmpi slt, %iota3A, %sign3A_5 : vector<128x8xi32>
    %sign3A_7 = arith.extui %sign3A_6 : vector<128x8xi1> to vector<128x8xi32>
    %sign3A_8 = arith.subi %sign3A_3, %sign3A_7 : vector<128x8xi32>
    %sign3A_9 = arith.constant 0 : i32
    %sign3A_10 = arith.cmpi sgt, %jit3A, %sign3A_9 : i32
    %sign3A_11 = arith.extui %sign3A_10 : i1 to i32
    %sign3A_12 = arith.constant 0 : i32
    %sign3A_13 = arith.cmpi slt, %jit3A, %sign3A_12 : i32
    %sign3A_14 = arith.extui %sign3A_13 : i1 to i32
    %sign3A_15 = arith.subi %sign3A_11, %sign3A_14 : i32
    %ne3A = vector.broadcast %sign3A_15 : i32 to vector<128x8xi32>
    %ne3A_16 = arith.cmpi ne, %sign3A_8, %ne3A : vector<128x8xi32>
    %rem3A = vector.broadcast %jit3A : i32 to vector<128x8xi32>
    %rem3A_17 = arith.remsi %iota3A, %rem3A : vector<128x8xi32>
    %ne3A_18 = arith.constant 0 : i32
    %ne3A_19 = vector.broadcast %ne3A_18 : i32 to vector<128x8xi32>
    %ne3A_20 = arith.cmpi ne, %rem3A_17, %ne3A_19 : vector<128x8xi32>
    %and3A = arith.andi %ne3A_16, %ne3A_20 : vector<128x8xi1>
    %sub3A = arith.constant 1 : i32
    %sub3A_21 = vector.broadcast %sub3A : i32 to vector<128x8xi32>
    %sub3A_22 = arith.subi %div3A_0, %sub3A_21 : vector<128x8xi32>
    %select_n3A = arith.select %and3A, %sub3A_22, %div3A_0 : vector<128x8xi1>, vector<128x8xi32>
    %iota3A_23 = tpu.iota {dimensions = array<i32: 1>} : vector<128x8xi32>
    %eq3A = arith.cmpi eq, %select_n3A, %iota3A_23 : vector<128x8xi32>
    %convert_element_type3A = arith.extui %eq3A : vector<128x8xi1> to vector<128x8xi32>
    %convert_element_type3A_24 = arith.sitofp %convert_element_type3A : vector<128x8xi32> to vector<128x8xf32>
    %get3A = arith.constant 0 : index
    %get3A_25 = arith.constant 0 : index
    %get3A_26 = vector.load %arg0[%get3A, %get3A_25] : memref<32x128xf32, #tpu.memory_space<vmem>>, vector<32x128xf32>
    %dot_general3A = arith.constant dense<0.000000e+00> : vector<32x8xf32>
    %dot_general3A_27 = tpu.matmul %get3A_26, %convert_element_type3A_24, %dot_general3A {dimension_numbers = #tpu.dot_dimension_numbers<[1], [0], [0], [1], [0, 0, 1, 1], [], []>, transpose_lhs_hint = false} : vector<32x128xf32>, vector<128x8xf32>, vector<32x8xf32> -> vector<32x8xf32>
    %get3A_28 = arith.constant 0 : index
    %get3A_29 = arith.constant 0 : index
    %get3A_30 = vector.load %arg1[%get3A_28, %get3A_29] : memref<32x128xf32, #tpu.memory_space<vmem>>, vector<32x128xf32>
    %dot_general3A_31 = arith.constant dense<0.000000e+00> : vector<32x8xf32>
    %dot_general3A_32 = tpu.matmul %get3A_30, %convert_element_type3A_24, %dot_general3A_31 {dimension_numbers = #tpu.dot_dimension_numbers<[1], [0], [0], [1], [0, 0, 1, 1], [], []>, transpose_lhs_hint = false} : vector<32x128xf32>, vector<128x8xf32>, vector<32x8xf32> -> vector<32x8xf32>
    %get3A_33 = arith.constant 0 : index
    %get3A_34 = arith.constant 0 : index
    %get3A_35 = vector.load %arg2[%get3A_33, %get3A_34] : memref<32x128xf32, #tpu.memory_space<vmem>>, vector<32x128xf32>
    %dot_general3A_36 = arith.constant dense<0.000000e+00> : vector<32x8xf32>
    %dot_general3A_37 = tpu.matmul %get3A_35, %convert_element_type3A_24, %dot_general3A_36 {dimension_numbers = #tpu.dot_dimension_numbers<[1], [0], [0], [1], [0, 0, 1, 1], [], []>, transpose_lhs_hint = false} : vector<32x128xf32>, vector<128x8xf32>, vector<32x8xf32> -> vector<32x8xf32>
    %log3A = math.log %dot_general3A_27 : vector<32x8xf32>
    %div3A_38 = arith.divf %dot_general3A_37, %dot_general3A_32 : vector<32x8xf32>
    %sub3A_39 = arith.subf %log3A, %div3A_38 : vector<32x8xf32>
    %iota3A_40 = tpu.iota {dimensions = array<i32: 1>} : vector<32x8xi32>
    %lt3A = arith.constant 4 : i32
    %lt3A_41 = vector.broadcast %lt3A : i32 to vector<32x8xi32>
    %lt3A_42 = arith.cmpi slt, %iota3A_40, %lt3A_41 : vector<32x8xi32>
    %jit3A_43 = arith.constant 0.000000e+00 : f32
    %broadcast_in_dim3A = vector.broadcast %jit3A_43 : f32 to vector<32x8xf32>
    %select_n3A_44 = arith.select %lt3A_42, %sub3A_39, %broadcast_in_dim3A : vector<32x8xi1>, vector<32x8xf32>
    %reduce_sum3A = vector.shape_cast %select_n3A_44 : vector<32x8xf32> to vector<1x32x8xf32>
    %reduce_sum3A_45 = arith.constant dense<0.000000e+00> : vector<1xf32>
    %reduce_sum3A_46 = vector.multi_reduction <add>, %reduce_sum3A, %reduce_sum3A_45 [1, 2] : vector<1x32x8xf32> to vector<1xf32>
    %reduce_sum3A_47 = vector.shape_cast %reduce_sum3A_46 : vector<1xf32> to vector<1x1x1xf32>
    %reduce_sum3A_48 = vector.extract %reduce_sum3A_47[0, 0, 0] : f32 from vector<1x1x1xf32>
    %reshape3A = vector.broadcast %reduce_sum3A_48 : f32 to vector<1x1xf32>
    %get3A_49 = arith.constant 0 : index
    %get3A_50 = arith.constant 0 : index
    %get3A_51 = vector.load %arg3[%get3A_49, %get3A_50] : memref<1x1xf32, #tpu.memory_space<vmem>>, vector<1x1xf32>
    %add3A = arith.addf %reshape3A, %get3A_51 : vector<1x1xf32>
    %mul3A = arith.constant 0.001953125 : f32
    %mul3A_52 = vector.broadcast %mul3A : f32 to vector<1x1xf32>
    %mul3A_53 = arith.mulf %add3A, %mul3A_52 : vector<1x1xf32>
    %swap3A = arith.constant 0 : index
    %swap3A_54 = arith.constant 0 : index
    %swap3A_55 = vector.load %arg4[%swap3A, %swap3A_54] : memref<1x1xf32, #tpu.memory_space<vmem>>, vector<1x1xf32>
    tpu.vector_store %arg4[%swap3A, %swap3A_54], %mul3A_53 {strides = array<i32>} : memref<1x1xf32, #tpu.memory_space<vmem>>, vector<1x1xf32>,
    return
  }
}

</mosaic_0001>

<sc_bundles>
// kernel: _loss.5.cloned.1.call-start
scs
__scs_entry_jumppad:
0x0: {  	(pc) =	sbr.rel $0x88, $3  }
0x1: {  	(tag) =	ssettag $0x0;
	lr =	simm.s32 $0x1  }
0x2: {  	[smem:$0x3F9F] =	sst lr;
	_ =	strace $0xD0000000  }
0x3: {  	_ = 	snop  }
0x4: {  	_ = 	snop  }
0x5: {  	_ = 	snop  }
0x6: {  	_ = 	snop  }
0x7: {  	_ = 	snop  }
__scs_overlays_trampoline_lowered:
0x8: {  	[smem:$0x3FAE] =	sst s0  }
0x9: {  	[smem:$0x3FAF] =	sst s1  }
0xa: {  	[smem:$0x3FB0] =	sst s2  }
0xb: {  	[smem:$0x3FB1] =	sst s3  }
0xc: {  	[smem:$0x3FB2] =	sst s4  }
0xd: {  	[smem:$0x3FB3] =	sst s5  }
0xe: {  	[smem:$0x3FB4] =	sst s6  }
0xf: {  	[smem:$0x3FB5] =	sst s7  }
0x10: {  	[smem:$0x3FB6] =	sst s8  }
0x11: {  	[smem:$0x3FB7] =	sst s9;
	s0 =	simm.s32 @!p0 $0x0  }
0x12: {  	s1 =	sld [smem:$0x3F9D];
	s0 =	simm.s32 @p0 $0x1  }
0x13: {  	[smem:$0x3FB8] =	sst s0;
	s0 =	simm.s32 @!p1 $0x0  }
0x14: {  	s2 =	sld [smem:$0x3F9C];
	s0 =	simm.s32 @p1 $0x1  }
0x15: {  	[smem:$0x3FB9] =	sst s0;
	s0 =	simm.s32 @!p2 $0x0  }
0x16: {  	s3 =	sld [smem:$0x3FDB];
	s0 =	simm.s32 @p2 $0x1  }
0x17: {  	s4 =	simm.s32 $0x1BF5;
	[smem:$0x3FBB] =	sst s0  }
0x18: {  	s0 =	sld [smem:$0x3F9E];
	_ =	swait.ge [sflag:s4], $0x0  }
0x19: {  	s7 =	sld [smem:$0x3F9F]  }
0x1a: {  	s8 =	sadd.s32 $0xFFFFE003, lr  }
0x1b: {  	s9 =	sadd.s32 $0xFFFFFEF7, lr;
	s5 =	simm.s32 $0xFFFFFFFF;
	p2 =	slt.u32 s8, $0xFFFFF086  }
0x1c: {  	p1 =	slt.u32 s9, $0xF7A;
	s5 =	simm.s32 @!p2 $0x0  }
0x1d: {  	s5 =	simm.s32 @p1 $0x1;
	p0 =	seq.s32 s7, s2  }
0x1e: {  	s7 =	smul.u32 @!p0 $0xF7A, s2;
	p2 =	seq.s32 @!p0 s5, $0x0  }
0x1f: {  	s9 =	smul.u32 $0xF7A, s1;
	s8 =	simm.s32 @!p0 $0x1BF5;
	p2 =	por !p2, p0  }
0x20: {  	[sflag:s8] =	ssyncset.s32 @!p0 $0xFFFFF086;
	s6 =	sadd.s32 @!p0 s3, s7;
	s7 =	simm.s32 @!p0 $0x108  }
0x21: {  	s3 =	sadd.s32 s3, s9;
	s6 =	sadd.s32 @!p0 $0x88, s6;
	s7 =	simm.s32 @p2 $0x1082  }
0x22: {  	[simem:s7], [sflag:s8] =	dma.local @!p0 [hbm:s6], $0xF7A  }
0x23: {  	s9 =	sor.u32 $0xD0000000, s2;
	s6 =	simm.s32 $0x108;
	_ =	swait.ge @!p0 [sflag:s8], $0x0  }
0x24: {  	s3 =	sadd.s32 $0x88, s3;
	s6 =	simm.s32 @!p1 $0x1082;
	[sflag:s4] =	ssyncset.s32 $0xFFFFF086  }
0x25: {  	[simem:s6], [sflag:s4] =	dma.local [hbm:s3], $0xF7A  }
0x26: {  	[smem:$0x3F9F] =	sst s1;
	(tag) =	ssettag s2;
	_ =	strace s9  }
0x27: {  	s1 =	sld [smem:$0x3FAF]  }
0x28: {  	s2 =	sld [smem:$0x3FB0]  }
0x29: {  	s4 =	sld [smem:$0x3FB2]  }
0x2a: {  	p0 =	seq.s32 s5, $0x0;
	s5 =	sld [smem:$0x3FB3]  }
0x2b: {  	s6 =	sld [smem:$0x3FB4]  }
0x2c: {  	s7 =	sld [smem:$0x3FB5]  }
0x2d: {  	s3 =	simm.s32 $0x108;
	s8 =	sld [smem:$0x3FB6]  }
0x2e: {  	s3 =	simm.s32 @!p0 $0x1082;
	s9 =	sld [smem:$0x3FB7]  }
0x2f: {  	lr =	sadd.s32 s0, s3;
	s0 =	sld [smem:$0x3FAE]  }
0x30: {  	s3 =	sld [smem:$0x3FB1]  }
0x31: {  	[smem:$0x3FBA] =	sst s10  }
0x32: {  	s10 =	sld [smem:$0x3FB8];
	_ =	sdelay $0x3  }
0x33: {  	p0 =	seq.s32 s10, $0x1;
	s10 =	sld [smem:$0x3FBA];
	_ =	sdelay $0x3  }
0x34: {  	[smem:$0x3FBA] =	sst s10  }
0x35: {  	s10 =	sld [smem:$0x3FB9];
	_ =	sdelay $0x3  }
0x36: {  	p1 =	seq.s32 s10, $0x1;
	s10 =	sld [smem:$0x3FBA];
	_ =	sdelay $0x3  }
0x37: {  	[smem:$0x3FBA] =	sst s10  }
0x38: {  	s10 =	sld [smem:$0x3FBB]  }
0x39: {  	_ = 	snop;
	(pc) =	sbr.ind lr, $3  }
0x3a: {  	_ = 	snop  }
0x3b: {  	_ = 	snop  }
0x3c: {  	p2 =	seq.s32 s10, $0x1;
	s10 =	sld [smem:$0x3FBA]  }
0x3d: {  	_ =	shalt  }
0x3e: {  	_ =	shalt  }
0x3f: {  	_ =	shalt  }
0x40: {  	_ =	shalt  }
0x41: {  	_ =	shalt  }
0x42: {  	_ =	shalt  }
0x43: {  	_ =	shalt  }
0x44: {  	_ =	shalt  }
0x45: {  	_ =	shalt  }
0x46: {  	_ =	shalt  }
0x47: {  	_ =	shalt  }
0x48: {  	_ =	shalt  }
0x49: {  	_ =	shalt  }
0x4a: {  	_ =	shalt  }
0x4b: {  	_ =	shalt  }
0x4c: {  	_ =	shalt  }
0x4d: {  	_ =	shalt  }
0x4e: {  	_ =	shalt  }
0x4f: {  	_ =	shalt  }
0x50: {  	_ =	shalt  }
0x51: {  	_ =	shalt  }
0x52: {  	_ =	shalt  }
0x53: {  	_ =	shalt  }
0x54: {  	_ =	shalt  }
0x55: {  	_ =	shalt  }
0x56: {  	_ =	shalt  }
0x57: {  	_ =	shalt  }
0x58: {  	_ =	shalt  }
0x59: {  	_ =	shalt  }
0x5a: {  	_ =	shalt  }
0x5b: {  	_ =	shalt  }
0x5c: {  	_ =	shalt  }
0x5d: {  	_ =	shalt  }
0x5e: {  	_ =	shalt  }
0x5f: {  	_ =	shalt  }
0x60: {  	_ =	shalt  }
0x61: {  	_ =	shalt  }
0x62: {  	_ =	shalt  }
0x63: {  	_ =	shalt  }
0x64: {  	_ =	shalt  }
0x65: {  	_ =	shalt  }
0x66: {  	_ =	shalt  }
0x67: {  	_ =	shalt  }
0x68: {  	_ =	shalt  }
0x69: {  	_ =	shalt  }
0x6a: {  	_ =	shalt  }
0x6b: {  	_ =	shalt  }
0x6c: {  	_ =	shalt  }
0x6d: {  	_ =	shalt  }
0x6e: {  	_ =	shalt  }
0x6f: {  	_ =	shalt  }
0x70: {  	_ =	shalt  }
0x71: {  	_ =	shalt  }
0x72: {  	_ =	shalt  }
0x73: {  	_ =	shalt  }
0x74: {  	_ =	shalt  }
0x75: {  	_ =	shalt  }
0x76: {  	_ =	shalt  }
0x77: {  	_ =	shalt  }
0x78: {  	_ =	shalt  }
0x79: {  	_ =	shalt  }
0x7a: {  	_ =	shalt  }
0x7b: {  	_ =	shalt  }
0x7c: {  	_ =	shalt  }
0x7d: {  	_ =	shalt  }
0x7e: {  	_ =	shalt  }
0x7f: {  	_ =	shalt  }
0x80: {  	_ =	shalt  }
0x81: {  	_ =	shalt  }
0x82: {  	_ =	shalt  }
0x83: {  	_ =	shalt  }
0x84: {  	_ =	shalt  }
0x85: {  	_ =	shalt  }
0x86: {  	_ =	shalt  }
0x87: {  	_ =	shalt  }
.Lfunc_end0:
.L_simem_size_0:
called_computation_lowered:
.L_overlay_start_0:
0x88: {  	s2 =	sld [smem:$0x3FD9]  }
0x89: {  	s3 =	sld [smem:$0x3FFE];
	_ =	sdelay $0x1  }
0x8a: {  	s1 =	srdreg.scid  }
0x8b: {  	s0 =	sand.u32 $0x1, s1  }
0x8c: {  	s17 =	sshll.u32 s0, $0xA;
	s2 =	sadd.s32 s3, s2  }
0x8d: {  	s2 =	sadd.s32 s2, s17  }
0x8e: {  	[smem:$0x3FC6] =	sst s2  }
0x8f: {  	_ = 	snop  }
0x90: {  	s2 =	sld [smem:$0x3FC9]  }
0x91: {  	s18 =	sld [smem:$0x3FC8];
	(tm) =	ssettm $0x1  }
0x92: {  	s4 =	sld [smem:$0x3FFB];
	_ =	sdelay $0x3  }
0x93: {  	_ =	strace s4  }
0x94: {  	s4 =	sld [smem:$0x3FFC];
	_ =	sdelay $0x3  }
0x95: {  	_ =	strace s4  }
0x96: {  	s4 =	sld [smem:$0x3FFD];
	_ =	sdelay $0x3  }
0x97: {  	_ =	strace s4  }
0x98: {  	_ =	strace $0x8FFFFFFF  }
0x99: {  	s19 =	sld [smem:$0x3FDB];
	_ =	sdelay $0x1  }
0x9a: {  	s5 =	simm.s32 $_scs_section_size  }
0x9b: {  	s6 =	simm.s32 $_size__tile_overlayer_lowered;
	s7 =	simm.s32 $_tile_overlayer_lowered  }
0x9c: {  	s22 =	simm.s32 $0x1BFF;
	s21 =	sshll.u32 s7, $0x1;
	s4 =	sadd.s32 s5, s19  }
0x9d: {  	s8 =	simm.s32 $0x0;
	s20 =	sshll.u32 s6, $0x1;
	s6 =	sadd.s32 s21, s4  }
0x9e: {  	[timem:s8], [sflag:s22] =	dma.local [hbm:s6], s20  }
0x9f: {  	_ =	swait.ge [sflag:s22], s20  }
0xa0: {  	s5 =	ssub.s32 $0x0, s20;
	[sflag:s22] =	ssyncset.done $0x0  }
0xa1: {  	[sflag:s22] =	ssyncadd.s32 s5;
	_ =	sdelay $0x1  }
0xa2: {  	s23 =	simm.s32 $0x1B8B  }
0xa3: {  	_ =	swait.ge [sflag:s23], $0x1  }
0xa4: {  	[sflag:s23] =	ssyncset.done $0x0  }
0xa5: {  	s25 =	simm.s32 $0x1B8E;
	s24 =	sld [smem:$0x3FFE];
	[sflag:s23] =	ssyncadd.s32 $0xFFFFFFFF  }
0xa6: {  	s26 =	simm.s32 $execute0_lowered;
	[smem:$0x3FD2] =	sst s25  }
0xa7: {  	s6 =	sshll.u32 s26, $0x1;
	_ =	strace $0x80000046;
	[dreg:$0x1] =	wrdreg $0xFFFFFFFF  }
0xa8: {  	s28 =	simm.s32 $_size_execute0_lowered;
	s4 =	sadd.s32 s4, s6;
	[dreg:$0x0] =	wrdreg $0x0  }
0xa9: {  	s6 =	sshll.u32 s28, $0x1;
	[dreg:$0x2] =	wrdreg s4  }
0xaa: {  	[dreg:$0x3] =	wrdreg s6  }
0xab: {  	[dreg:$0x4] =	wrdreg $0xC0  }
0xac: {  	_ =	task [dreg:s8], $0x5FFFF  }
0xad: {  	[dreg:$0x1] =	wrdreg $0xFFFFFFFF  }
0xae: {  	[dreg:$0x0] =	wrdreg $0x60  }
0xaf: {  	[dreg:$0x2] =	wrdreg s2  }
0xb0: {  	[dreg:$0x3] =	wrdreg s18  }
0xb1: {  	[dreg:$0x4] =	wrdreg s24  }
0xb2: {  	[dreg:$0x5] =	wrdreg $0x9  }
0xb3: {  	_ =	task.clear_ibuf [dreg:s8], $0x6FFFF;
	_ =	strace $0x90000046  }
0xb4: {  	s29 =	simm.s32 $0x9;
	_ =	strace $0x80000048  }
0xb5: {  	_ =	swait.ge [sflag:s29], $0x1  }
0xb6: {  	[sflag:s29] =	ssyncadd.s32 $0xFFFFFFFF  }
0xb7: {  	_ =	strace $0x90000048  }
0xb8: {  	_ =	sfence  }
0xb9: {  	s30 =	sld [smem:$0x0];
	_ =	sdelay $0x2  }
0xba: {  	s31 =	sshll.u32 s1, $0xD;
	s1 =	sshrl.u32 s1, $0x2  }
0xbb: {  	s3 =	sand.u32 $0x4000, s31;
	s1 =	sadd.s32 s1, s30  }
0xbc: {  	s0 =	sor.u32 s3, s0;
	s1 =	sshll.u32 s1, $0x11  }
0xbd: {  	s0 =	sor.u32 s1, s0  }
0xbe: {  	s0 =	sadd.s32 $0x8F2B, s0  }
0xbf: {  	[sflag:s0] =	ssyncadd.remote.s32 $0x1  }
0xc0: {  	_ =	sfence.sel $0xFFFF  }
0xc1: {  	[dreg:$0x0] =	wrdreg $0xFFFFFFFF;
	(pc) =	sbr.abs _section_cstart, $3  }
0xc2: {  	[dreg:$0x1] =	wrdreg $0xFFFFFFFF  }
0xc3: {  	_ =	task.clear_ibuf [dreg:s8], $0x2FFFF;
	_ =	strace $0x9FFFFFFF  }
0xc4: {  	(tm) =	ssettm $0x7FFFFFFF  }
0xc5: {  	_ =	shalt  }
tec
execute0_lowered:
.L_overlay_start_1:
0x0: {  	(tag) =	ssettag $0x1  }
0x1: {  	s5 =	rddreg [dreg:$0x0]  }
0x2: {  	s6 =	rddreg [dreg:$0x1]  }
0x3: {  	s3 =	rddreg [dreg:$0x2]  }
0x4: {  	s0 =	rddreg [dreg:$0x3]  }
0x5: {  	s4 =	srdreg.scid;
	s2 =	simm.s32 $0x0;
	s1 =	stileid.u32  }
0x6: {  	s12 =	simm.s32 $0x400;
	s13 =	simm.s32 $0x2000;
	s14 =	simm.s32 $0x1  }
0x7: {  	s15 =	simm.s32 $0x2;
	s16 =	simm.s32 $0x4000;
	s17 =	simm.s32 $0x6000  }
0x8: {  	s18 =	simm.s32 $0x3;
	s19 =	simm.s32 $0x4;
	s20 =	simm.s32 $0x8000  }
0x9: {  	s21 =	simm.s32 $0x5;
	s22 =	simm.s32 $0x8080;
	s23 =	simm.s32 $0x8100  }
0xa: {  	s24 =	simm.s32 $0x0;
	s4 =	sand.u32 $0x1, s4;
	[smem:$0x7FF] =	sst s2  }
0xb: {  	s7 =	sshll.u32 s1, $0x5;
	s9 =	sshll.u32 s1, $0xC;
	s8 =	sshll.u32 s4, $0x4  }
0xc: {  	_ =	strace $0x80000047;
	s29 =	ssub.s32 $0x2, s4;
	s4 =	sshll.u32 s4, $0x6  }
0xd: {  	s7 =	sor.u32 s8, s7;
	s30 =	sshrl.u32 s29, $0x1;
	s4 =	sor.u32 s4, s9  }
0xe: {  	s10 =	sadd.s32 s7, s3;
	s11 =	ssub.s32 s29, s30;
	s31 =	sor.u32 $0x20, s4  }
0xf: {  	s3 =	sadd.s32 s5, s4;
	s4 =	sadd.s32 s6, s4;
	s5 =	sadd.s32 s5, s31  }
0x10: {  	s6 =	sadd.s32 s6, s31;
	s7 =	sadd.s32 $0x1200, s10;
	s8 =	sadd.s32 $0x1400, s10  }
0x11: {  	s9 =	sadd.s32 $0x1600, s10;
	s10 =	smax.u32 s11, $0x1;
	s11 =	simm.s32 $0x100  }
.LBB2_1:
0x12: {  	v8 =	vimm.f32 $0.0e+00  }
0x13: {  	[tilespmem:$0x8000] =	vst v8  }
0x14: {  	[tilespmem:$0x8080] =	vst v8  }
0x15: {  	[tilespmem:$0x8100] =	vst v8  }
0x16: {  	[tilespmem:$0x8010] =	vst v8  }
0x17: {  	[tilespmem:$0x8090] =	vst v8  }
0x18: {  	[tilespmem:$0x8110] =	vst v8  }
0x19: {  	[tilespmem:$0x8020] =	vst v8  }
0x1a: {  	[tilespmem:$0x80A0] =	vst v8  }
0x1b: {  	[tilespmem:$0x8120] =	vst v8  }
0x1c: {  	[tilespmem:$0x8030] =	vst v8  }
0x1d: {  	[tilespmem:$0x80B0] =	vst v8  }
0x1e: {  	[tilespmem:$0x8130] =	vst v8  }
0x1f: {  	[tilespmem:$0x8040] =	vst v8  }
0x20: {  	[tilespmem:$0x80C0] =	vst v8  }
0x21: {  	[tilespmem:$0x8140] =	vst v8  }
0x22: {  	[tilespmem:$0x8050] =	vst v8  }
0x23: {  	[tilespmem:$0x80D0] =	vst v8  }
0x24: {  	[tilespmem:$0x8150] =	vst v8  }
0x25: {  	[tilespmem:$0x8060] =	vst v8  }
0x26: {  	[tilespmem:$0x80E0] =	vst v8  }
0x27: {  	[tilespmem:$0x8160] =	vst v8  }
0x28: {  	[tilespmem:$0x8070] =	vst v8  }
0x29: {  	[tilespmem:$0x80F0] =	vst v8  }
0x2a: {  	[tilespmem:$0x8170] =	vst v8  }
0x2b: {  	[tilespmem:s2], [sflag:$0x1] =	stream.strided.gather [hbm4b:s3+s11], $0x2000, s12, s11, $0x38;
	[tilespmem:$0x8180] =	vst v63  }
0x2c: {  	_ = 	snop  }
0x2d: {  	[tilespmem:s13], [sflag:$0x2] =	stream.strided.gather [hbm4b:s4+s11], $0x2000, s12, s11, $0x38;
	[tilespmem:$0x8180] =	vst v63  }
0x2e: {  	_ =	swait.ge [sflag:s14], $0x2000  }
0x2f: {  	[sflag:s14] =	ssyncset.done $0x0  }
0x30: {  	[sflag:s14] =	ssyncadd.s32 $0xFFFFE000  }
0x31: {  	_ =	swait.ge [sflag:s15], $0x2000  }
0x32: {  	[sflag:s15] =	ssyncset.done $0x0  }
0x33: {  	s25 =	sand.u32 $0x40, s2;
	s26 =	sand.u32 $0x1F00, s2;
	[sflag:s15] =	ssyncadd.s32 $0xFFFFE000  }
0x34: {  	[tilespmem:s16], [sflag:$0x3] =	stream.strided.gather [hbm4b:s5+s11], $0x2000, s12, s11, $0x38;
	[tilespmem:$0x8180] =	vst v63  }
0x35: {  	s25 =	sor.u32 s25, s26  }
0x36: {  	[tilespmem:s17], [sflag:$0x4] =	stream.strided.gather [hbm4b:s6+s11], $0x2000, s12, s11, $0x38;
	[tilespmem:$0x8180] =	vst v63  }
0x37: {  	v6 =	vld [tilespmem:s25+$0x30]  }
0x38: {  	v0 =	vld [tilespmem:s25+$0x2030]  }
0x39: {  	v1 =	vld [tilespmem:s25+$0x2010]  }
0x3a: {  	v2 =	vld [tilespmem:s25+$0x2000]  }
0x3b: {  	v3 =	vld [tilespmem:s25+$0x2020]  }
0x3c: {  	s30 =	simm.s32 $0x80;
	s28 =	simm.s32 $0x40;
	v9 =	vld [tilespmem:s25+$0x20]  }
0x3d: {  	s28 =	sand.u32 $0x40, s28;
	s26 =	sand.u32 $0x1F00, s30;
	v10 =	vld [tilespmem:s25+$0x0];
	v0 =	vmul.f32 $1.442695020e+00, v0  }
0x3e: {  	s31 =	simm.s32 $0x100;
	s26 =	sor.u32 s28, s26;
	s28 =	simm.s32 $0x80;
	v11 =	vld [tilespmem:s25+$0x10];
	v1 =	vmul.f32 $1.442695020e+00, v1  }
0x3f: {  	s28 =	sand.u32 $0x40, s28;
	v7 =	vld [tilespmem:s26+$0x2010];
	s25 =	sand.u32 $0x1F00, s31;
	v2 =	vmul.f32 $1.442695020e+00, v2;
	(erf) = vpow2.f32 v0  }
0x40: {  	v12 =	vld [tilespmem:s26+$0x2000];
	s25 =	sor.u32 s28, s25;
	v3 =	vmul.f32 $1.442695020e+00, v3;
	(erf) = vpow2.f32 v1  }
0x41: {  	v20 =	vld [tilespmem:s25+$0x2030];
	v4 =	vmul.f32 $1.442695020e+00, v9;
	(erf) = vpow2.f32 v2  }
0x42: {  	v5 =	vmul.f32 $1.442695020e+00, v10;
	v2 =	vld [tilespmem:s26+$0x2030];
	(erf) = vpow2.f32 v3  }
0x43: {  	v3 =	vld [tilespmem:s26+$0x2020];
	(erf) = vpow2.f32 v4  }
0x44: {  	v0 =	vld [tilespmem:s26+$0x30];
	v4 =	vmul.f32 $1.442695020e+00, v11;
	(erf) = vpow2.f32 v5  }
0x45: {  	v13 =	vmul.f32 $1.442695020e+00, v6;
	v12 =	vmul.f32 $1.442695020e+00, v12;
	v1 =	vld [tilespmem:s26+$0x20]  }
0x46: {  	v20 =	vmul.f32 $1.442695020e+00, v20;
	(erf) = vpow2.f32 v4  }
0x47: {  	v2 =	vmul.f32 $1.442695020e+00, v2;
	(erf) = vpow2.f32 v13  }
0x48: {  	v4 =	vld [tilespmem:s26+$0x0];
	v15 =	vmul.f32 $1.442695020e+00, v3;
	v3 =	vmul.f32 $1.442695020e+00, v7;
	v16 =	vpop (erf)  }
0x49: {  	v5 =	vmul.f32 $1.442695020e+00, v0;
	(erf) = vpow2.f32 v2;
	v13 =	vpop (erf)  }
0x4a: {  	v14 =	vmul.f32 $1.442695020e+00, v1;
	v7 =	vld [tilespmem:s26+$0x10];
	(erf) = vpow2.f32 v3;
	v17 =	vpop (erf)  }
0x4b: {  	v2 =	vld [tilespmem:s25+$0x30];
	v6 =	vmul.f32 v16, v6;
	v18 =	vmul.f32 v13, v11;
	v19 =	vpop (erf);
	v11 =	vadd.f32 v17, v8  }
0x4c: {  	v3 =	vld [tilespmem:s25+$0x20];
	(erf) = vpow2.f32 v12;
	v10 =	vmul.f32 v17, v10;
	v21 =	vpop (erf)  }
0x4d: {  	v22 =	vld [tilespmem:s25+$0x2020];
	v12 =	vmul.f32 $1.442695020e+00, v4;
	(erf) = vpow2.f32 v15;
	v11 =	vadd.f32 v13, v11;
	v13 =	vpop (erf)  }
0x4e: {  	(erf) = vpow2.f32 v14;
	v13 =	vadd.f32 v13, v8;
	v8 =	vadd.f32 v10, v8  }
0x4f: {  	v23 =	vmul.f32 $1.442695020e+00, v7;
	v14 =	vld [tilespmem:s25+$0x2010];
	(erf) = vpow2.f32 v12;
	v15 =	vpop (erf);
	v12 =	vadd.f32 v19, v11  }
0x50: {  	v17 =	vmul.f32 v19, v9;
	v10 =	vmul.f32 $1.442695020e+00, v2;
	v24 =	vadd.f32 v15, v13;
	v15 =	vld [tilespmem:s25+$0x2000]  }
0x51: {  	(erf) = vpow2.f32 v23;
	v11 =	vmul.f32 $1.442695020e+00, v3;
	v12 =	vadd.f32 v16, v12;
	v16 =	vpop (erf)  }
0x52: {  	s29 =	simm.s32 $0xC0;
	s28 =	simm.s32 $0x180;
	s26 =	simm.s32 $0x8;
	v9 =	vld [tilespmem:s25+$0x0];
	v18 =	vadd.f32 v18, v8;
	v13 =	vmul.f32 $1.442695020e+00, v22;
	v8 =	vpop (erf);
	v19 =	vadd.f32 v21, v24  }
.LBB2_2:
0x53: {  	v21 =	vpop (erf)  }
0x54: {  	s30 =	sand.u32 $0x40, s29;
	s31 =	sand.u32 $0x1F00, s28;
	s26 =	sadd.s32 $0x4, s26;
	v14 =	vmul.f32 $1.442695020e+00, v14;
	(erf) = vpow2.f32 v5;
	v17 =	vadd.f32 v17, v18;
	v18 =	vmovc v3;
	v5 =	vmovc v10  }
0x55: {  	p0 =	slt.u32 s26, $0xFC;
	v10 =	vmul.f32 $1.442695020e+00, v15;
	v15 =	vld [tilespmem:s25+$0x10];
	s25 =	sor.u32 s30, s31;
	(erf) = vpow2.f32 v20;
	v20 =	vpop (erf);
	v16 =	vadd.f32 v16, v19  }
0x56: {  	v22 =	vmul.f32 v21, v7;
	v19 =	vld [tilespmem:s25+$0x30];
	(erf) = vpow2.f32 v14;
	v23 =	vpop (erf);
	v7 =	vadd.f32 v6, v17  }
0x57: {  	v14 =	vadd.f32 v20, v12;
	v6 =	vmul.f32 v8, v0;
	v3 =	vld [tilespmem:s25+$0x20];
	(erf) = vpow2.f32 v10;
	v24 =	vpop (erf)  }
0x58: {  	v12 =	vmul.f32 v20, v4;
	v0 =	vmovc v2;
	v4 =	vmov v9;
	v25 =	vld [tilespmem:s25+$0x2030];
	(erf) = vpow2.f32 v13  }
0x59: {  	v17 =	vmul.f32 $1.442695020e+00, v4;
	v9 =	vadd.f32 v21, v14;
	v13 =	vld [tilespmem:s25+$0x2020];
	(erf) = vpow2.f32 v11;
	v10 =	vpop (erf)  }
.Ltmp0:
0x5a: {  	v12 =	vadd.f32 v12, v7;
	v14 =	vld [tilespmem:s25+$0x2010];
	v20 =	vmul.f32 $1.442695020e+00, v15;
	v27 =	vadd.f32 v10, v16;
	v7 =	vmovc v15;
	(pc) =	sbr.rel @p0 .LBB2_2-.Ltmp0, $4  }
0x5b: {  	v21 =	vadd.f32 v23, v9;
	v15 =	vld [tilespmem:s25+$0x2000];
	v10 =	vmul.f32 $1.442695020e+00, v19;
	(erf) = vpow2.f32 v17;
	v2 =	vpop (erf)  }
0x5c: {  	v17 =	vmul.f32 v23, v1;
	v1 =	vmovc v18;
	v9 =	vld [tilespmem:s25+$0x0];
	v11 =	vmul.f32 $1.442695020e+00, v3;
	v26 =	vadd.f32 v2, v27;
	v2 =	vmovc v19  }
0x5d: {  	v18 =	vadd.f32 v22, v12;
	v12 =	vadd.f32 v8, v21;
	(erf) = vpow2.f32 v20;
	v16 =	vpop (erf)  }
0x5e: {  	s28 =	sadd.s32 $0x80, s28;
	s29 =	sadd.s32 $0x40, s29;
	v20 =	vmul.f32 $1.442695020e+00, v25;
	v13 =	vmul.f32 $1.442695020e+00, v13;
	v8 =	vpop (erf);
	v19 =	vadd.f32 v24, v26  }
0x5f: {  	v14 =	vmul.f32 $1.442695020e+00, v14  }
0x60: {  	(erf) = vpow2.f32 v5;
	v5 =	vmul.f32 $1.442695020e+00, v15  }
0x61: {  	(erf) = vpow2.f32 v20  }
0x62: {  	(erf) = vpow2.f32 v14  }
0x63: {  	v14 =	vpop (erf);
	(erf) = vpow2.f32 v5  }
0x64: {  	v15 =	vld [tilespmem:s25+$0x10];
	v5 =	vpop (erf);
	(erf) = vpow2.f32 v13;
	v13 =	vmul.f32 $1.442695020e+00, v9;
	_ =	sdelay $0x1  }
0x65: {  	v17 =	vadd.f32 v17, v18;
	v18 =	vpop (erf)  }
0x66: {  	(erf) = vpow2.f32 v11;
	v11 =	vadd.f32 v16, v19;
	v16 =	vpop (erf)  }
0x67: {  	v6 =	vadd.f32 v6, v17;
	(erf) = vpow2.f32 v13;
	v13 =	vpop (erf)  }
0x68: {  	v19 =	vmul.f32 $1.442695020e+00, v15;
	v4 =	vmul.f32 v5, v4;
	v11 =	vadd.f32 v13, v11  }
0x69: {  	v7 =	vmul.f32 v14, v7;
	v13 =	vpop (erf)  }
0x6a: {  	v4 =	vadd.f32 v4, v6;
	(erf) = vpow2.f32 v19;
	v6 =	vadd.f32 v13, v11  }
0x6b: {  	v5 =	vadd.f32 v5, v12;
	v12 =	vpop (erf)  }
0x6c: {  	v11 =	vpop (erf);
	v6 =	vadd.f32 v16, v6  }
0x6d: {  	v5 =	vadd.f32 v14, v5;
	v13 =	vpop (erf)  }
0x6e: {  	v1 =	vmul.f32 v18, v1;
	v4 =	vadd.f32 v7, v4;
	(erf) = vpow2.f32 v10;
	v7 =	vpop (erf)  }
0x6f: {  	v5 =	vadd.f32 v18, v5;
	v10 =	vpop (erf)  }
0x70: {  	v0 =	vmul.f32 v8, v0;
	v1 =	vadd.f32 v1, v4;
	v4 =	vadd.f32 v12, v6;
	v6 =	vpop (erf)  }
0x71: {  	v5 =	vadd.f32 v8, v5;
	v8 =	vpop (erf)  }
0x72: {  	v0 =	vadd.f32 v0, v1;
	v1 =	vmul.f32 v7, v9;
	v4 =	vadd.f32 v8, v4  }
0x73: {  	v5 =	vadd.f32 v7, v5;
	v7 =	vpop (erf)  }
0x74: {  	v0 =	vadd.f32 v1, v0;
	v8 =	vmul.f32 v13, v15;
	v1 =	vadd.f32 v7, v4  }
0x75: {  	v4 =	vadd.f32 v13, v5  }
0x76: {  	v3 =	vmul.f32 v10, v3;
	v0 =	vadd.f32 v8, v0;
	v1 =	vadd.f32 v6, v1  }
0x77: {  	v5 =	vpop (erf);
	v4 =	vadd.f32 v10, v4  }
0x78: {  	p0 =	por $0x0, $0x0;
	s25 =	simm.s32 $0x1;
	v2 =	vmul.f32 v11, v2;
	v0 =	vadd.f32 v3, v0;
	v1 =	vadd.f32 v5, v1  }
0x79: {  	s25 =	simm.s32 @!p0 $0x0;
	v3 =	vadd.f32 v11, v4  }
0x7a: {  	s25 =	sshll.u32 s25, $0x6;
	v0 =	vadd.f32 v2, v0;
	[tilespmem:$0x8000] =	vst v1  }
0x7b: {  	s25 =	sadd.s32 $0x0, s25;
	[tilespmem:$0x8080] =	vst v3  }
0x7c: {  	s26 =	sor.u32 $0x90, s25;
	[tilespmem:$0x8100] =	vst v0  }
0x7d: {  	s28 =	sor.u32 $0x80, s25;
	v4 =	vld [tilespmem:s26+$0x0]  }
0x7e: {  	v3 =	vld [tilespmem:s28+$0x0]  }
0x7f: {  	v0 =	vld [tilespmem:s28+$0x2000];
	_ =	sdelay $0x2  }
0x80: {  	v6 =	vld [tilespmem:s26+$0x2000];
	v1 =	vmul.f32 $1.442695020e+00, v4  }
0x81: {  	p0 =	por !p0, !p0;
	s28 =	sor.u32 $0xA0, s25;
	s26 =	simm.s32 $0x1;
	v2 =	vmul.f32 $1.442695020e+00, v3  }
0x82: {  	v7 =	vld [tilespmem:s28+$0x2000];
	s26 =	simm.s32 @!p0 $0x0;
	v0 =	vmul.f32 $1.442695020e+00, v0;
	(erf) = vpow2.f32 v1  }
0x83: {  	v5 =	vld [tilespmem:s28+$0x0];
	s28 =	sor.u32 $0xB0, s25;
	s30 =	sshll.u32 s26, $0x6;
	(erf) = vpow2.f32 v2  }
0x84: {  	v8 =	vld [tilespmem:s28+$0x2000];
	s25 =	sadd.s32 $0x80, s30;
	(erf) = vpow2.f32 v0  }
0x85: {  	s31 =	sor.u32 $0x90, s25;
	v9 =	vmul.f32 $1.442695020e+00, v6;
	v2 =	vld [tilespmem:s28+$0x0]  }
0x86: {  	s28 =	sor.u32 $0x80, s25;
	v0 =	vld [tilespmem:s31+$0x0]  }
0x87: {  	s29 =	sor.u32 $0xA0, s25;
	v7 =	vmul.f32 $1.442695020e+00, v7;
	v6 =	vld [tilespmem:s28+$0x0];
	(erf) = vpow2.f32 v9  }
0x88: {  	v10 =	vmul.f32 $1.442695020e+00, v5;
	v1 =	vld [tilespmem:s29+$0x0]  }
0x89: {  	(erf) = vpow2.f32 v7  }
0x8a: {  	v13 =	vld [tilespmem:s28+$0x2000];
	v9 =	vmul.f32 $1.442695020e+00, v8;
	(erf) = vpow2.f32 v10  }
0x8b: {  	v14 =	vimm.f32 $0.0e+00;
	v7 =	vmul.f32 $1.442695020e+00, v2;
	v17 =	vmul.f32 $1.442695020e+00, v0;
	v8 =	vpop (erf)  }
0x8c: {  	v12 =	vld [tilespmem:s31+$0x2000];
	v10 =	vimm.f32 $0.0e+00;
	v18 =	vmul.f32 $1.442695020e+00, v6;
	(erf) = vpow2.f32 v9;
	v15 =	vpop (erf)  }
0x8d: {  	p0 =	por !p0, !p0;
	s26 =	simm.s32 $0x80;
	v11 =	vld [tilespmem:s29+$0x2000];
	s28 =	simm.s32 $0x4;
	v9 =	vimm.f32 $0.0e+00;
	(erf) = vpow2.f32 v7;
	v7 =	vmul.f32 $1.442695020e+00, v1;
	v16 =	vpop (erf)  }
.LBB2_4:
0x8e: {  	s29 =	simm.s32 $0x1  }
0x8f: {  	v13 =	vmul.f32 $1.442695020e+00, v13;
	s30 =	sor.u32 $0xB0, s25;
	(erf) = vpow2.f32 v17;
	s29 =	simm.s32 @!p0 $0x0  }
0x90: {  	s26 =	sadd.s32 $0x80, s26;
	s25 =	sshll.u32 s29, $0x6;
	v17 =	vld [tilespmem:s30+$0x2000];
	(erf) = vpow2.f32 v18;
	v18 =	vmul.f32 v16, v3;
	v19 =	vpop (erf);
	v3 =	vmov v6  }
0x91: {  	v9 =	vadd.f32 v15, v9;
	v6 =	vmul.f32 $1.442695020e+00, v12;
	s25 =	sadd.s32 s25, s26;
	(erf) = vpow2.f32 v13  }
0x92: {  	v20 =	vadd.f32 v16, v14;
	v14 =	vmul.f32 v19, v4;
	s29 =	sor.u32 $0xA0, s25;
	v12 =	vld [tilespmem:s30+$0x0];
	v10 =	vadd.f32 v18, v10;
	v15 =	vpop (erf)  }
0x93: {  	s28 =	sadd.s32 $0x4, s28;
	v8 =	vadd.f32 v8, v9;
	v4 =	vmovc v0;
	s30 =	sor.u32 $0x90, s25;
	v18 =	vmul.f32 $1.442695020e+00, v11;
	v16 =	vld [tilespmem:s29+$0x0];
	(erf) = vpow2.f32 v6  }
0x94: {  	p1 =	slt.u32 s28, $0xFC;
	v9 =	vadd.f32 v19, v20;
	s31 =	sor.u32 $0x80, s25;
	v19 =	vmul.f32 v15, v5;
	v0 =	vld [tilespmem:s30+$0x0];
	v10 =	vadd.f32 v14, v10;
	v13 =	vpop (erf)  }
0x95: {  	v6 =	vld [tilespmem:s31+$0x0];
	v14 =	vmul.f32 $1.442695020e+00, v17;
	(erf) = vpow2.f32 v18;
	v20 =	vadd.f32 v13, v8;
	v11 =	vpop (erf)  }
.Ltmp1:
0x96: {  	v21 =	vadd.f32 v15, v9;
	v13 =	vld [tilespmem:s31+$0x2000];
	v10 =	vadd.f32 v19, v10;
	v17 =	vmul.f32 v11, v2;
	v2 =	vpop (erf);
	(pc) =	sbr.rel @p1 .LBB2_4-.Ltmp1, $4  }
0x97: {  	v5 =	vmovc v1;
	v18 =	vmul.f32 $1.442695020e+00, v12;
	(erf) = vpow2.f32 v7;
	v9 =	vadd.f32 v2, v20;
	v2 =	vmovc v12  }
0x98: {  	v12 =	vld [tilespmem:s30+$0x2000];
	v8 =	vpop (erf);
	(erf) = vpow2.f32 v14;
	v14 =	vadd.f32 v11, v21;
	v10 =	vadd.f32 v17, v10  }
0x99: {  	v1 =	vmov v16;
	v17 =	vmul.f32 $1.442695020e+00, v0;
	v15 =	vpop (erf);
	(erf) = vpow2.f32 v18  }
0x9a: {  	p0 =	por !p0, !p0;
	v7 =	vmul.f32 $1.442695020e+00, v1;
	v18 =	vmul.f32 $1.442695020e+00, v6;
	v11 =	vld [tilespmem:s29+$0x2000];
	v16 =	vpop (erf)  }
0x9b: {  	v13 =	vmul.f32 $1.442695020e+00, v13;
	_ =	sdelay $0x1  }
0x9c: {  	s25 =	sor.u32 $0xB0, s25;
	(erf) = vpow2.f32 v17;
	v3 =	vmul.f32 v16, v3  }
0x9d: {  	v9 =	vadd.f32 v15, v9;
	v17 =	vld [tilespmem:s25+$0x2000];
	(erf) = vpow2.f32 v18;
	v12 =	vmul.f32 $1.442695020e+00, v12  }
0x9e: {  	v18 =	vld [tilespmem:s25+$0x0];
	(erf) = vpow2.f32 v13;
	v13 =	vpop (erf);
	v11 =	vmul.f32 $1.442695020e+00, v11  }
0x9f: {  	v14 =	vadd.f32 v16, v14;
	(erf) = vpow2.f32 v12;
	v4 =	vmul.f32 v13, v4  }
0xa0: {  	v3 =	vadd.f32 v3, v10;
	v8 =	vadd.f32 v8, v9;
	v10 =	vpop (erf);
	(erf) = vpow2.f32 v11  }
0xa1: {  	v9 =	vpop (erf);
	(erf) = vpow2.f32 v7;
	v7 =	vadd.f32 v13, v14  }
0xa2: {  	v12 =	vmul.f32 $1.442695020e+00, v17;
	v8 =	vadd.f32 v9, v8  }
0xa3: {  	v11 =	vmul.f32 $1.442695020e+00, v18;
	v3 =	vadd.f32 v4, v3;
	v4 =	vpop (erf);
	v7 =	vadd.f32 v10, v7  }
0xa4: {  	v5 =	vmul.f32 v10, v5;
	(erf) = vpow2.f32 v12;
	v9 =	vpop (erf)  }
0xa5: {  	(erf) = vpow2.f32 v11;
	v10 =	vpop (erf)  }
0xa6: {  	v3 =	vadd.f32 v5, v3;
	v2 =	vmul.f32 v4, v2;
	v5 =	vadd.f32 v9, v8;
	v8 =	vpop (erf)  }
0xa7: {  	v4 =	vadd.f32 v4, v7;
	v7 =	vpop (erf)  }
0xa8: {  	v2 =	vadd.f32 v2, v3;
	v5 =	vadd.f32 v8, v5;
	v3 =	vmul.f32 v7, v6  }
0xa9: {  	v4 =	vadd.f32 v7, v4  }
0xaa: {  	v6 =	vpop (erf);
	v5 =	vadd.f32 v10, v5  }
0xab: {  	v0 =	vmul.f32 v6, v0;
	v2 =	vadd.f32 v3, v2;
	v4 =	vadd.f32 v6, v4  }
0xac: {  	v3 =	vpop (erf)  }
0xad: {  	v0 =	vadd.f32 v0, v2;
	v6 =	vpop (erf);
	v1 =	vmul.f32 v3, v1;
	v3 =	vadd.f32 v3, v4  }
0xae: {  	v2 =	vadd.f32 v6, v5;
	v5 =	vpop (erf)  }
0xaf: {  	v4 =	vpop (erf);
	v0 =	vadd.f32 v1, v0;
	v1 =	vmul.f32 v5, v18;
	v3 =	vadd.f32 v5, v3  }
0xb0: {  	v2 =	vadd.f32 v4, v2  }
0xb1: {  	v0 =	vadd.f32 v1, v0;
	[tilespmem:$0x8090] =	vst v3  }
0xb2: {  	[tilespmem:$0x8010] =	vst v2  }
0xb3: {  	[tilespmem:$0x8110] =	vst v0  }
0xb4: {  	_ =	swait.ge [sflag:s18], $0x2000  }
0xb5: {  	[sflag:s18] =	ssyncset.done $0x0  }
0xb6: {  	[sflag:s18] =	ssyncadd.s32 $0xFFFFE000  }
0xb7: {  	s31 =	simm.s32 $0x0;
	_ =	swait.ge [sflag:s19], $0x2000  }
0xb8: {  	s26 =	sand.u32 $0x40, s31;
	s25 =	sand.u32 $0x1F00, s31;
	[sflag:s19] =	ssyncset.done $0x0  }
0xb9: {  	s25 =	sor.u32 s26, s25;
	[sflag:s19] =	ssyncadd.s32 $0xFFFFE000  }
0xba: {  	v0 =	vld [tilespmem:s25+$0x6030]  }
0xbb: {  	v1 =	vld [tilespmem:s25+$0x6010]  }
0xbc: {  	v2 =	vld [tilespmem:s25+$0x6000];
	_ =	sdelay $0x1  }
0xbd: {  	v6 =	vld [tilespmem:s25+$0x4030]  }
0xbe: {  	v3 =	vld [tilespmem:s25+$0x6020];
	v0 =	vmul.f32 $1.442695020e+00, v0  }
0xbf: {  	s30 =	simm.s32 $0x80;
	s28 =	simm.s32 $0x40;
	v8 =	vld [tilespmem:s25+$0x4020];
	v1 =	vmul.f32 $1.442695020e+00, v1  }
0xc0: {  	s28 =	sand.u32 $0x40, s28;
	s26 =	sand.u32 $0x1F00, s30;
	v9 =	vld [tilespmem:s25+$0x4000];
	v2 =	vmul.f32 $1.442695020e+00, v2;
	(erf) = vpow2.f32 v0  }
0xc1: {  	s31 =	simm.s32 $0x100;
	s26 =	sor.u32 s28, s26;
	s28 =	simm.s32 $0x80;
	v10 =	vld [tilespmem:s25+$0x4010];
	(erf) = vpow2.f32 v1  }
0xc2: {  	s28 =	sand.u32 $0x40, s28;
	v7 =	vld [tilespmem:s26+$0x6010];
	s25 =	sand.u32 $0x1F00, s31;
	(erf) = vpow2.f32 v2  }
0xc3: {  	v11 =	vld [tilespmem:s26+$0x6000];
	s25 =	sor.u32 s28, s25;
	v3 =	vmul.f32 $1.442695020e+00, v3  }
0xc4: {  	v20 =	vld [tilespmem:s25+$0x6030];
	v4 =	vmul.f32 $1.442695020e+00, v8  }
0xc5: {  	v5 =	vmul.f32 $1.442695020e+00, v9;
	v2 =	vld [tilespmem:s26+$0x6030];
	(erf) = vpow2.f32 v3  }
0xc6: {  	v12 =	vmul.f32 $1.442695020e+00, v6;
	v3 =	vld [tilespmem:s26+$0x6020];
	(erf) = vpow2.f32 v4  }
0xc7: {  	v4 =	vmul.f32 $1.442695020e+00, v10;
	(erf) = vpow2.f32 v5  }
0xc8: {  	v11 =	vmul.f32 $1.442695020e+00, v11;
	v0 =	vld [tilespmem:s26+$0x4030]  }
0xc9: {  	v20 =	vmul.f32 $1.442695020e+00, v20;
	v1 =	vld [tilespmem:s26+$0x4020];
	(erf) = vpow2.f32 v4;
	v16 =	vpop (erf)  }
0xca: {  	v2 =	vmul.f32 $1.442695020e+00, v2;
	(erf) = vpow2.f32 v12;
	v12 =	vpop (erf)  }
0xcb: {  	v15 =	vimm.f32 $0.0e+00;
	v4 =	vld [tilespmem:s26+$0x4000];
	v14 =	vmul.f32 $1.442695020e+00, v3;
	v3 =	vmul.f32 $1.442695020e+00, v7;
	v17 =	vpop (erf)  }
0xcc: {  	v7 =	vld [tilespmem:s26+$0x4010];
	(erf) = vpow2.f32 v2;
	v18 =	vmul.f32 v12, v10;
	v10 =	vadd.f32 v17, v15  }
0xcd: {  	v5 =	vmul.f32 $1.442695020e+00, v0;
	(erf) = vpow2.f32 v3  }
0xce: {  	v13 =	vmul.f32 $1.442695020e+00, v1;
	v6 =	vmul.f32 v16, v6;
	v3 =	vld [tilespmem:s25+$0x4020];
	v19 =	vpop (erf)  }
0xcf: {  	v22 =	vld [tilespmem:s25+$0x6020];
	(erf) = vpow2.f32 v11;
	v9 =	vmul.f32 v17, v9;
	v21 =	vpop (erf)  }
0xd0: {  	v2 =	vld [tilespmem:s25+$0x4030];
	v11 =	vmul.f32 $1.442695020e+00, v4;
	(erf) = vpow2.f32 v14;
	v12 =	vadd.f32 v12, v10;
	v10 =	vpop (erf)  }
0xd1: {  	(erf) = vpow2.f32 v13;
	v13 =	vmul.f32 $1.442695020e+00, v7;
	v17 =	vadd.f32 v10, v15  }
0xd2: {  	v14 =	vld [tilespmem:s25+$0x6010];
	v9 =	vadd.f32 v9, v15;
	(erf) = vpow2.f32 v11;
	v12 =	vadd.f32 v19, v12;
	v15 =	vpop (erf)  }
0xd3: {  	v11 =	vmul.f32 $1.442695020e+00, v3;
	(erf) = vpow2.f32 v13;
	v23 =	vadd.f32 v15, v17;
	v15 =	vld [tilespmem:s25+$0x6000]  }
0xd4: {  	v18 =	vadd.f32 v18, v9;
	v13 =	vmul.f32 $1.442695020e+00, v22;
	v12 =	vadd.f32 v16, v12;
	v16 =	vpop (erf)  }
0xd5: {  	s29 =	simm.s32 $0xC0;
	s28 =	simm.s32 $0x180;
	s26 =	simm.s32 $0x8;
	v9 =	vld [tilespmem:s25+$0x4000];
	v10 =	vmul.f32 $1.442695020e+00, v2;
	v17 =	vmul.f32 v19, v8;
	v8 =	vpop (erf);
	v19 =	vadd.f32 v21, v23  }
.LBB2_6:
0xd6: {  	v21 =	vpop (erf)  }
0xd7: {  	s30 =	sand.u32 $0x40, s29;
	s31 =	sand.u32 $0x1F00, s28;
	s26 =	sadd.s32 $0x4, s26;
	v14 =	vmul.f32 $1.442695020e+00, v14;
	(erf) = vpow2.f32 v5;
	v17 =	vadd.f32 v17, v18;
	v18 =	vmovc v3;
	v5 =	vmovc v10  }
0xd8: {  	p0 =	slt.u32 s26, $0xFC;
	v10 =	vmul.f32 $1.442695020e+00, v15;
	v15 =	vld [tilespmem:s25+$0x4010];
	s25 =	sor.u32 s30, s31;
	(erf) = vpow2.f32 v20;
	v20 =	vpop (erf);
	v16 =	vadd.f32 v16, v19  }
0xd9: {  	v22 =	vmul.f32 v21, v7;
	v19 =	vld [tilespmem:s25+$0x4030];
	(erf) = vpow2.f32 v14;
	v23 =	vpop (erf);
	v7 =	vadd.f32 v6, v17  }
0xda: {  	v14 =	vadd.f32 v20, v12;
	v6 =	vmul.f32 v8, v0;
	v3 =	vld [tilespmem:s25+$0x4020];
	(erf) = vpow2.f32 v10;
	v24 =	vpop (erf)  }
0xdb: {  	v12 =	vmul.f32 v20, v4;
	v0 =	vmovc v2;
	v4 =	vmov v9;
	v25 =	vld [tilespmem:s25+$0x6030];
	(erf) = vpow2.f32 v13  }
0xdc: {  	v17 =	vmul.f32 $1.442695020e+00, v4;
	v9 =	vadd.f32 v21, v14;
	v13 =	vld [tilespmem:s25+$0x6020];
	(erf) = vpow2.f32 v11;
	v10 =	vpop (erf)  }
.Ltmp2:
0xdd: {  	v12 =	vadd.f32 v12, v7;
	v14 =	vld [tilespmem:s25+$0x6010];
	v20 =	vmul.f32 $1.442695020e+00, v15;
	v27 =	vadd.f32 v10, v16;
	v7 =	vmovc v15;
	(pc) =	sbr.rel @p0 .LBB2_6-.Ltmp2, $4  }
0xde: {  	v21 =	vadd.f32 v23, v9;
	v15 =	vld [tilespmem:s25+$0x6000];
	v10 =	vmul.f32 $1.442695020e+00, v19;
	(erf) = vpow2.f32 v17;
	v2 =	vpop (erf)  }
0xdf: {  	v17 =	vmul.f32 v23, v1;
	v1 =	vmovc v18;
	v9 =	vld [tilespmem:s25+$0x4000];
	v11 =	vmul.f32 $1.442695020e+00, v3;
	v26 =	vadd.f32 v2, v27;
	v2 =	vmovc v19  }
0xe0: {  	v18 =	vadd.f32 v22, v12;
	v12 =	vadd.f32 v8, v21;
	(erf) = vpow2.f32 v20;
	v16 =	vpop (erf)  }
0xe1: {  	s28 =	sadd.s32 $0x80, s28;
	s29 =	sadd.s32 $0x40, s29;
	v20 =	vmul.f32 $1.442695020e+00, v25;
	v13 =	vmul.f32 $1.442695020e+00, v13;
	v8 =	vpop (erf);
	v19 =	vadd.f32 v24, v26  }
0xe2: {  	v14 =	vmul.f32 $1.442695020e+00, v14  }
0xe3: {  	(erf) = vpow2.f32 v5;
	v5 =	vmul.f32 $1.442695020e+00, v15  }
0xe4: {  	(erf) = vpow2.f32 v20  }
0xe5: {  	(erf) = vpow2.f32 v14  }
0xe6: {  	v14 =	vpop (erf);
	(erf) = vpow2.f32 v5  }
0xe7: {  	v15 =	vld [tilespmem:s25+$0x4010];
	v5 =	vpop (erf);
	(erf) = vpow2.f32 v13;
	v13 =	vmul.f32 $1.442695020e+00, v9;
	_ =	sdelay $0x1  }
0xe8: {  	v17 =	vadd.f32 v17, v18;
	v18 =	vpop (erf)  }
0xe9: {  	(erf) = vpow2.f32 v11;
	v11 =	vadd.f32 v16, v19;
	v16 =	vpop (erf)  }
0xea: {  	v6 =	vadd.f32 v6, v17;
	(erf) = vpow2.f32 v13;
	v13 =	vpop (erf)  }
0xeb: {  	v19 =	vmul.f32 $1.442695020e+00, v15;
	v4 =	vmul.f32 v5, v4;
	v11 =	vadd.f32 v13, v11  }
0xec: {  	v7 =	vmul.f32 v14, v7;
	v13 =	vpop (erf)  }
0xed: {  	v4 =	vadd.f32 v4, v6;
	(erf) = vpow2.f32 v19;
	v6 =	vadd.f32 v13, v11  }
0xee: {  	v5 =	vadd.f32 v5, v12;
	v12 =	vpop (erf)  }
0xef: {  	v11 =	vpop (erf);
	v6 =	vadd.f32 v16, v6  }
0xf0: {  	v5 =	vadd.f32 v14, v5;
	v13 =	vpop (erf)  }
0xf1: {  	v1 =	vmul.f32 v18, v1;
	v4 =	vadd.f32 v7, v4;
	(erf) = vpow2.f32 v10;
	v7 =	vpop (erf)  }
0xf2: {  	v5 =	vadd.f32 v18, v5;
	v10 =	vpop (erf)  }
0xf3: {  	v0 =	vmul.f32 v8, v0;
	v1 =	vadd.f32 v1, v4;
	v4 =	vadd.f32 v12, v6;
	v6 =	vpop (erf)  }
0xf4: {  	v5 =	vadd.f32 v8, v5;
	v8 =	vpop (erf)  }
0xf5: {  	v0 =	vadd.f32 v0, v1;
	v1 =	vmul.f32 v7, v9;
	v4 =	vadd.f32 v8, v4  }
0xf6: {  	v5 =	vadd.f32 v7, v5;
	v7 =	vpop (erf)  }
0xf7: {  	v0 =	vadd.f32 v1, v0;
	v8 =	vmul.f32 v13, v15;
	v1 =	vadd.f32 v7, v4  }
0xf8: {  	v4 =	vadd.f32 v13, v5  }
0xf9: {  	v3 =	vmul.f32 v10, v3;
	v0 =	vadd.f32 v8, v0;
	v1 =	vadd.f32 v6, v1  }
0xfa: {  	v5 =	vpop (erf);
	v4 =	vadd.f32 v10, v4  }
0xfb: {  	p0 =	por $0x0, $0x0;
	s25 =	simm.s32 $0x1;
	v2 =	vmul.f32 v11, v2;
	v0 =	vadd.f32 v3, v0;
	v1 =	vadd.f32 v5, v1  }
0xfc: {  	s25 =	simm.s32 @!p0 $0x0;
	v3 =	vadd.f32 v11, v4  }
0xfd: {  	s25 =	sshll.u32 s25, $0x6;
	v0 =	vadd.f32 v2, v0;
	[tilespmem:$0x8020] =	vst v1  }
0xfe: {  	s25 =	sadd.s32 $0x0, s25;
	[tilespmem:$0x80A0] =	vst v3  }
0xff: {  	s26 =	sor.u32 $0x90, s25;
	[tilespmem:$0x8120] =	vst v0  }
0x100: {  	s28 =	sor.u32 $0x80, s25;
	v4 =	vld [tilespmem:s26+$0x4000]  }
0x101: {  	v3 =	vld [tilespmem:s28+$0x4000]  }
0x102: {  	v0 =	vld [tilespmem:s28+$0x6000];
	_ =	sdelay $0x2  }
0x103: {  	v6 =	vld [tilespmem:s26+$0x6000];
	v1 =	vmul.f32 $1.442695020e+00, v4  }
0x104: {  	p0 =	por !p0, !p0;
	s28 =	sor.u32 $0xA0, s25;
	s26 =	simm.s32 $0x1;
	v2 =	vmul.f32 $1.442695020e+00, v3  }
0x105: {  	v7 =	vld [tilespmem:s28+$0x6000];
	s26 =	simm.s32 @!p0 $0x0;
	v0 =	vmul.f32 $1.442695020e+00, v0;
	(erf) = vpow2.f32 v1  }
0x106: {  	v5 =	vld [tilespmem:s28+$0x4000];
	s28 =	sor.u32 $0xB0, s25;
	s30 =	sshll.u32 s26, $0x6;
	(erf) = vpow2.f32 v2  }
0x107: {  	v8 =	vld [tilespmem:s28+$0x6000];
	s25 =	sadd.s32 $0x80, s30;
	(erf) = vpow2.f32 v0  }
0x108: {  	s31 =	sor.u32 $0x90, s25;
	v9 =	vmul.f32 $1.442695020e+00, v6;
	v2 =	vld [tilespmem:s28+$0x4000]  }
0x109: {  	s28 =	sor.u32 $0x80, s25;
	v0 =	vld [tilespmem:s31+$0x4000]  }
0x10a: {  	s29 =	sor.u32 $0xA0, s25;
	v7 =	vmul.f32 $1.442695020e+00, v7;
	v6 =	vld [tilespmem:s28+$0x4000];
	(erf) = vpow2.f32 v9  }
0x10b: {  	v10 =	vmul.f32 $1.442695020e+00, v5;
	v1 =	vld [tilespmem:s29+$0x4000]  }
0x10c: {  	(erf) = vpow2.f32 v7  }
0x10d: {  	v13 =	vld [tilespmem:s28+$0x6000];
	v9 =	vmul.f32 $1.442695020e+00, v8;
	(erf) = vpow2.f32 v10  }
0x10e: {  	v14 =	vimm.f32 $0.0e+00;
	v7 =	vmul.f32 $1.442695020e+00, v2;
	v17 =	vmul.f32 $1.442695020e+00, v0;
	v8 =	vpop (erf)  }
0x10f: {  	v12 =	vld [tilespmem:s31+$0x6000];
	v10 =	vimm.f32 $0.0e+00;
	v18 =	vmul.f32 $1.442695020e+00, v6;
	(erf) = vpow2.f32 v9;
	v15 =	vpop (erf)  }
0x110: {  	p0 =	por !p0, !p0;
	s26 =	simm.s32 $0x80;
	v11 =	vld [tilespmem:s29+$0x6000];
	s28 =	simm.s32 $0x4;
	v9 =	vimm.f32 $0.0e+00;
	(erf) = vpow2.f32 v7;
	v7 =	vmul.f32 $1.442695020e+00, v1;
	v16 =	vpop (erf)  }
.LBB2_8:
0x111: {  	s29 =	simm.s32 $0x1  }
0x112: {  	v13 =	vmul.f32 $1.442695020e+00, v13;
	s30 =	sor.u32 $0xB0, s25;
	(erf) = vpow2.f32 v17;
	s29 =	simm.s32 @!p0 $0x0  }
0x113: {  	s26 =	sadd.s32 $0x80, s26;
	s25 =	sshll.u32 s29, $0x6;
	v17 =	vld [tilespmem:s30+$0x6000];
	(erf) = vpow2.f32 v18;
	v18 =	vmul.f32 v16, v3;
	v19 =	vpop (erf);
	v3 =	vmov v6  }
0x114: {  	v9 =	vadd.f32 v15, v9;
	v6 =	vmul.f32 $1.442695020e+00, v12;
	s25 =	sadd.s32 s25, s26;
	(erf) = vpow2.f32 v13  }
0x115: {  	v20 =	vadd.f32 v16, v14;
	v14 =	vmul.f32 v19, v4;
	s29 =	sor.u32 $0xA0, s25;
	v12 =	vld [tilespmem:s30+$0x4000];
	v10 =	vadd.f32 v18, v10;
	v15 =	vpop (erf)  }
0x116: {  	s28 =	sadd.s32 $0x4, s28;
	v8 =	vadd.f32 v8, v9;
	v4 =	vmovc v0;
	s30 =	sor.u32 $0x90, s25;
	v18 =	vmul.f32 $1.442695020e+00, v11;
	v16 =	vld [tilespmem:s29+$0x4000];
	(erf) = vpow2.f32 v6  }
0x117: {  	p1 =	slt.u32 s28, $0xFC;
	v9 =	vadd.f32 v19, v20;
	s31 =	sor.u32 $0x80, s25;
	v19 =	vmul.f32 v15, v5;
	v0 =	vld [tilespmem:s30+$0x4000];
	v10 =	vadd.f32 v14, v10;
	v13 =	vpop (erf)  }
0x118: {  	v6 =	vld [tilespmem:s31+$0x4000];
	v14 =	vmul.f32 $1.442695020e+00, v17;
	(erf) = vpow2.f32 v18;
	v20 =	vadd.f32 v13, v8;
	v11 =	vpop (erf)  }
.Ltmp3:
0x119: {  	v21 =	vadd.f32 v15, v9;
	v13 =	vld [tilespmem:s31+$0x6000];
	v10 =	vadd.f32 v19, v10;
	v17 =	vmul.f32 v11, v2;
	v2 =	vpop (erf);
	(pc) =	sbr.rel @p1 .LBB2_8-.Ltmp3, $4  }
0x11a: {  	v5 =	vmovc v1;
	v18 =	vmul.f32 $1.442695020e+00, v12;
	(erf) = vpow2.f32 v7;
	v9 =	vadd.f32 v2, v20;
	v2 =	vmovc v12  }
0x11b: {  	v12 =	vld [tilespmem:s30+$0x6000];
	v8 =	vpop (erf);
	(erf) = vpow2.f32 v14;
	v14 =	vadd.f32 v11, v21;
	v10 =	vadd.f32 v17, v10  }
0x11c: {  	v1 =	vmov v16;
	v17 =	vmul.f32 $1.442695020e+00, v0;
	v15 =	vpop (erf);
	(erf) = vpow2.f32 v18  }
0x11d: {  	p0 =	por !p0, !p0;
	v7 =	vmul.f32 $1.442695020e+00, v1;
	v18 =	vmul.f32 $1.442695020e+00, v6;
	v11 =	vld [tilespmem:s29+$0x6000];
	v16 =	vpop (erf)  }
0x11e: {  	s25 =	sor.u32 $0xB0, s25;
	v13 =	vmul.f32 $1.442695020e+00, v13;
	(erf) = vpow2.f32 v17  }
0x11f: {  	v42 =	vld [tilespmem:s25+$0x6000];
	(erf) = vpow2.f32 v18  }
0x120: {  	v43 =	vld [tilespmem:s25+$0x4000];
	v12 =	vmul.f32 $1.442695020e+00, v12;
	(erf) = vpow2.f32 v13  }
0x121: {  	v3 =	vmul.f32 v16, v3;
	v9 =	vadd.f32 v15, v9  }
0x122: {  	v14 =	vadd.f32 v16, v14;
	v44 =	vpop (erf);
	v11 =	vmul.f32 $1.442695020e+00, v11;
	(erf) = vpow2.f32 v12  }
0x123: {  	v4 =	vmul.f32 v44, v4;
	v3 =	vadd.f32 v3, v10;
	v8 =	vadd.f32 v8, v9;
	v45 =	vpop (erf)  }
0x124: {  	v49 =	vadd.f32 v44, v14;
	v47 =	vpop (erf);
	v46 =	vmul.f32 $1.442695020e+00, v42;
	(erf) = vpow2.f32 v11  }
0x125: {  	v3 =	vadd.f32 v4, v3;
	v48 =	vmul.f32 $1.442695020e+00, v43;
	v50 =	vpop (erf);
	(erf) = vpow2.f32 v7  }
0x126: {  	v5 =	vmul.f32 v45, v5;
	v51 =	vpop (erf);
	v7 =	vadd.f32 v45, v49;
	(erf) = vpow2.f32 v46  }
0x127: {  	v8 =	vadd.f32 v47, v8;
	(erf) = vpow2.f32 v48;
	v52 =	vpop (erf)  }
0x128: {  	v3 =	vadd.f32 v5, v3;
	v2 =	vmul.f32 v50, v2;
	v4 =	vadd.f32 v50, v7;
	v54 =	vpop (erf)  }
0x129: {  	v53 =	vadd.f32 v51, v8;
	v55 =	vpop (erf)  }
0x12a: {  	v2 =	vadd.f32 v2, v3;
	v56 =	vmul.f32 v55, v6;
	v4 =	vadd.f32 v55, v4  }
0x12b: {  	v5 =	vadd.f32 v54, v53;
	v57 =	vpop (erf)  }
0x12c: {  	v2 =	vadd.f32 v56, v2;
	v0 =	vmul.f32 v57, v0;
	v4 =	vadd.f32 v57, v4  }
0x12d: {  	v5 =	vadd.f32 v52, v5;
	v58 =	vpop (erf)  }
0x12e: {  	v59 =	vpop (erf);
	v0 =	vadd.f32 v0, v2;
	v1 =	vmul.f32 v58, v1;
	v3 =	vadd.f32 v58, v4  }
0x12f: {  	v60 =	vadd.f32 v59, v5;
	v61 =	vpop (erf)  }
0x130: {  	v62 =	vpop (erf);
	v0 =	vadd.f32 v1, v0;
	v63 =	vmul.f32 v61, v43;
	v3 =	vadd.f32 v61, v3  }
0x131: {  	v2 =	vadd.f32 v62, v60  }
0x132: {  	v0 =	vadd.f32 v63, v0;
	[tilespmem:$0x80B0] =	vst v3  }
0x133: {  	[tilespmem:$0x8030] =	vst v2  }
0x134: {  	[tilespmem:$0x8130] =	vst v0  }
0x135: {  	[hbm4b:s7+s2] =	stream.linear.scatter [tilespmem:s20], [sflag:$0x5], $0x80, $0x38;
	[tilespmem:$0x8180] =	vst v63  }
0x136: {  	_ =	swait.ge [sflag:s21], $0x80  }
0x137: {  	[sflag:s21] =	ssyncset.done $0x0  }
0x138: {  	[sflag:s21] =	ssyncadd.s32 $0xFFFFFF80  }
0x139: {  	[hbm4b:s8+s2] =	stream.linear.scatter [tilespmem:s22], [sflag:$0x5], $0x80, $0x38;
	[tilespmem:$0x8180] =	vst v63  }
0x13a: {  	s24 =	sadd.s32 $0x1, s24;
	_ =	swait.ge [sflag:s21], $0x80  }
0x13b: {  	p0 =	sne.s32 s24, s10;
	[sflag:s21] =	ssyncset.done $0x0  }
.Ltmp4:
0x13c: {  	[sflag:s21] =	ssyncadd.s32 $0xFFFFFF80;
	(pc) =	sbr.rel @p0 .LBB2_1-.Ltmp4, $4  }
0x13d: {  	[hbm4b:s9+s2] =	stream.linear.scatter [tilespmem:s23], [sflag:$0x5], $0x80, $0x38;
	[tilespmem:$0x8180] =	vst v63  }
0x13e: {  	_ =	swait.ge [sflag:s21], $0x80  }
0x13f: {  	[sflag:s21] =	ssyncset.done $0x0  }
0x140: {  	[sflag:s21] =	ssyncadd.s32 $0xFFFFFF80  }
0x141: {  	_ =	sfence.sel $0x180000  }
0x142: {  	[bflag:$0x0] =	sbarrier.arrive $0xFFFF  }
0x143: {  	p0 =	sne.s32 s1, $0x0;
	_ =	strace $0x90000047  }
0x144: {  	s0 =	sadd.s32 @!p0 $0x100000, s0;
	[bflag:$0x2] =	sbarrier.arrive $0xFFFF  }
0x145: {  	[sflag:s0] =	ssyncadd.tile.s32 @!p0 $0x1;
	_ =	shalt  }
.Lfunc_end2:
_tile_overlayer_lowered:
.L_overlay_start_2:
0x146: {  	(tag) =	ssettag $0x2  }
0x147: {  	s0 =	rddreg [dreg:$0x0];
	s2 =	stileid.u32  }
0x148: {  	s1 =	rddreg [dreg:$0x1];
	p0 =	sne.s32 s2, $0x0  }
0x149: {  	s3 =	rddreg [dreg:$0x2];
	[bflag:$0x3] =	sbarrier.arrive $0xFFFF;
	s2 =	simm.s32 @!p0 $0x1C05  }
0x14a: {  	[timem:s3], [sflag:s2] =	dma.local @!p0 [hbm:s0], s1  }
0x14b: {  	s0 =	simm.s32 @!p0 $0x5  }
0x14c: {  	_ =	swait.ge @!p0 [sflag:s0], s1  }
0x14d: {  	s1 =	ssub.s32 @!p0 $0x0, s1;
	[sflag:s0] =	ssyncset.done @!p0 $0x0  }
0x14e: {  	[sflag:s0] =	ssyncadd.s32 @!p0 s1  }
0x14f: {  	[bflag:$0x3] =	sbarrier.arrive $0xFFFF  }
0x150: {  	_ =	shalt  }

</sc_bundles>
